<compile_context>
chip_gen: v7x
topology: tpu7x:2x2x1
jax: 0.10.2.dev20260603
libtpu: 0.0.44.dev20260713+nightly
codegen_flags: <defaults>
</compile_context>

<pallas_src>
import functools

import jax
import jax.numpy as jnp
from jax import lax
from jax.experimental import pallas as pl
from jax.experimental.pallas import tpu as pltpu
from jax.experimental.pallas import tpu_sc as plsc

_NC = 2
_NS = 16
_NW = _NC * _NS

_K = 80


def _sc_scatter(x, row, col, np_, with_counts):
    n, d = x.shape
    e = row.shape[0]
    epw = e // _NW
    chunks = epw // _K
    rpt = np_ // _NS
    zchunks = rpt // _K

    mesh = plsc.VectorSubcoreMesh(core_axis_name="c", subcore_axis_name="s")
    out_type = [jax.ShapeDtypeStruct((_NC, np_, d), jnp.float32)]
    if with_counts:
        out_type += [jax.ShapeDtypeStruct((_NC, np_, d), jnp.float32)]

    scratch = [
        pltpu.VMEM((_K,), jnp.int32),
        pltpu.VMEM((_K,), jnp.int32),
        pltpu.VMEM((_K,), jnp.int32),
        pltpu.VMEM((_K, d), jnp.float32),
        pltpu.VMEM_SHARED((np_, d), jnp.float32),
        pltpu.SemaphoreType.DMA,
    ]

    def impl(x_hbm, row_hbm, col_hbm, sums, cnts,
             idx_row, idx_col, zidx, rows_v, ssum, sem):
        cid = lax.axis_index("c")
        sid = lax.axis_index("s")
        wid = cid * _NS + sid
        sbase = sid * rpt
        ebase = wid * epw

        def fill_rows(val):
            v16 = jnp.full((16,), val, jnp.float32)

            def fstep(i, carry):
                for q in range(d // 16):
                    rows_v[i, pl.ds(q * 16, 16)] = v16
                return carry

            lax.fori_loop(0, _K, fstep, 0)

        def set_zidx(j):
            base = sbase + j * _K
            lanes = lax.iota(jnp.int32, 16)
            for q in range(_K // 16):
                zidx[pl.ds(q * 16, 16)] = lanes + (base + q * 16)

        def zero_acc():
            fill_rows(0.0)

            def zstep(j, carry):
                set_zidx(j)
                pltpu.sync_copy(rows_v, ssum.at[zidx])
                return carry

            lax.fori_loop(0, zchunks, zstep, 0)

        def write_out(dst):
            def wstep(j, carry):
                set_zidx(j)
                pltpu.async_copy(ssum.at[zidx], rows_v, sem).wait()
                pltpu.sync_copy(rows_v, dst.at[cid, pl.ds(sbase + j * _K, _K)])
                return carry

            lax.fori_loop(0, zchunks, wstep, 0)

        zero_acc()
        plsc.subcore_barrier()

        def step(i, carry):
            off = ebase + i * _K
            pltpu.sync_copy(col_hbm.at[pl.ds(off, _K)], idx_col)
            pltpu.sync_copy(row_hbm.at[pl.ds(off, _K)], idx_row)
            pltpu.async_copy(x_hbm.at[idx_col], rows_v, sem).wait()
            pltpu.sync_copy(rows_v, ssum.at[idx_row], add=True)
            return carry

        lax.fori_loop(0, chunks, step, 0)
        plsc.subcore_barrier()
        write_out(sums)

        if with_counts:
            zero_acc()
            fill_rows(1.0)
            plsc.subcore_barrier()

            def cstep(i, carry):
                off = ebase + i * _K
                pltpu.sync_copy(row_hbm.at[pl.ds(off, _K)], idx_row)
                pltpu.sync_copy(rows_v, ssum.at[idx_row], add=True)
                return carry

            lax.fori_loop(0, chunks, cstep, 0)
            plsc.subcore_barrier()
            write_out(cnts)

    if with_counts:
        def body(x_hbm, row_hbm, col_hbm, sums, cnts,
                 idx_row, idx_col, zidx, rows_v, ssum, sem):
            impl(x_hbm, row_hbm, col_hbm, sums, cnts,
                 idx_row, idx_col, zidx, rows_v, ssum, sem)
    else:
        def body(x_hbm, row_hbm, col_hbm, sums,
                 idx_row, idx_col, zidx, rows_v, ssum, sem):
            impl(x_hbm, row_hbm, col_hbm, sums, None,
                 idx_row, idx_col, zidx, rows_v, ssum, sem)

    f = pl.kernel(body, out_type=tuple(out_type), mesh=mesh,
                  scratch_types=scratch)
    res = f(x, row, col)
    if with_counts:
        sums, cnts = res
        return sums[0], sums[1], cnts[0], cnts[1]
    (sums,) = res
    return sums[0], sums[1]


def _sc_gather(x, rel_emb, head_ids, rel_ids, tail_ids):
    n, d = x.shape
    b = head_ids.shape[0]
    per_w = b // _NW
    kc = 128
    chunks = per_w // kc

    mesh = plsc.VectorSubcoreMesh(core_axis_name="c", subcore_axis_name="s")
    out_type = tuple(jax.ShapeDtypeStruct((b, d), jnp.float32) for _ in range(3))
    scratch = [
        pltpu.VMEM((kc,), jnp.int32),
        pltpu.VMEM((kc, d), jnp.float32),
        pltpu.SemaphoreType.DMA,
    ]

    def body(x_hbm, rel_hbm, hid, rid, tid, ho, ro, to, idx_v, rows_v, sem):
        cid = lax.axis_index("c")
        sid = lax.axis_index("s")
        base = (cid * _NS + sid) * per_w

        def step(i, carry):
            off = base + i * kc
            for ids, src, dst in ((hid, x_hbm, ho), (rid, rel_hbm, ro),
                                  (tid, x_hbm, to)):
                pltpu.sync_copy(ids.at[pl.ds(off, kc)], idx_v)
                pltpu.async_copy(src.at[idx_v], rows_v, sem).wait()
                pltpu.sync_copy(rows_v, dst.at[pl.ds(off, kc)])
            return carry

        lax.fori_loop(0, chunks, step, 0)

    f = pl.kernel(body, out_type=out_type, mesh=mesh, scratch_types=scratch)
    return f(x, rel_emb, head_ids, rel_ids, tail_ids)


def _tc_layer(x, s0, s1, c0, c1, w, b2d):
    n, d = x.shape
    h = w.shape[1]
    bn = 1000

    def body(x_ref, s0_ref, s1_ref, c0_ref, c1_ref, w_ref, b_ref, o_ref):
        cnt = c0_ref[:, :1] + c1_ref[:, :1]
        mean = (s0_ref[...] + s1_ref[...]) / (cnt + 1e-8)
        acc = jnp.dot(x_ref[...], w_ref[:d, :], preferred_element_type=jnp.float32)
        acc = acc + jnp.dot(mean, w_ref[d:, :], preferred_element_type=jnp.float32)
        o_ref[...] = jnp.maximum(acc + b_ref[...], 0.0)

    return pl.pallas_call(
        body,
        grid=(n // bn,),
        in_specs=[
            pl.BlockSpec((bn, d), lambda i: (i, 0)),
            pl.BlockSpec((bn, d), lambda i: (i, 0)),
            pl.BlockSpec((bn, d), lambda i: (i, 0)),
            pl.BlockSpec((bn, d), lambda i: (i, 0)),
            pl.BlockSpec((bn, d), lambda i: (i, 0)),
            pl.BlockSpec((2 * d, h), lambda i: (0, 0)),
            pl.BlockSpec((1, h), lambda i: (0, 0)),
        ],
        out_specs=pl.BlockSpec((bn, h), lambda i: (i, 0)),
        out_shape=jax.ShapeDtypeStruct((n, h), jnp.float32),
    )(x, s0, s1, c0, c1, w, b2d)


def _tc_predict(hd, rl, tl, wp1, bp1_2d, wp2_row, bp2_2d):
    b, d = hd.shape
    h = wp1.shape[1]
    bb = 2048

    def body(h_ref, r_ref, t_ref, w_ref, b1_ref, w2_ref, b2_ref, o_ref):
        acc = jnp.dot(h_ref[...], w_ref[:d, :], preferred_element_type=jnp.float32)
        acc = acc + jnp.dot(r_ref[...], w_ref[d:2 * d, :], preferred_element_type=jnp.float32)
        acc = acc + jnp.dot(t_ref[...], w_ref[2 * d:, :], preferred_element_type=jnp.float32)
        hh = jnp.maximum(acc + b1_ref[...], 0.0)
        score = jnp.sum(hh * w2_ref[...], axis=1, keepdims=True) + b2_ref[...]
        o_ref[...] = jax.nn.sigmoid(score)

    return pl.pallas_call(
        body,
        grid=(b // bb,),
        in_specs=[
            pl.BlockSpec((bb, d), lambda i: (i, 0)),
            pl.BlockSpec((bb, d), lambda i: (i, 0)),
            pl.BlockSpec((bb, d), lambda i: (i, 0)),
            pl.BlockSpec((3 * d, h), lambda i: (0, 0)),
            pl.BlockSpec((1, h), lambda i: (0, 0)),
            pl.BlockSpec((1, h), lambda i: (0, 0)),
            pl.BlockSpec((1, 1), lambda i: (0, 0)),
        ],
        out_specs=pl.BlockSpec((bb, 1), lambda i: (i, 0)),
        out_shape=jax.ShapeDtypeStruct((b, 1), jnp.float32),
    )(hd, rl, tl, wp1, bp1_2d, wp2_row, bp2_2d)


def kernel(entity_emb, relation_emb, W0, b0, W1, b1, Wp1, bp1, Wp2, bp2,
           edge_index, head_ids, relation_ids, tail_ids):
    n, d = entity_emb.shape
    row = edge_index[0].astype(jnp.int32)
    col = edge_index[1].astype(jnp.int32)
    head_ids = head_ids.astype(jnp.int32)
    relation_ids = relation_ids.astype(jnp.int32)
    tail_ids = tail_ids.astype(jnp.int32)

    np_ = ((n + _K * _NS - 1) // (_K * _NS)) * (_K * _NS)

    s0, s1, c0, c1 = _sc_scatter(entity_emb, row, col, np_, True)
    x1 = _tc_layer(entity_emb, s0, s1, c0, c1, W0, b0.reshape(1, -1))
    s0b, s1b = _sc_scatter(x1, row, col, np_, False)
    x2 = _tc_layer(x1, s0b, s1b, c0, c1, W1, b1.reshape(1, -1))
    hd, rl, tl = _sc_gather(x2, relation_emb, head_ids, relation_ids, tail_ids)
    score = _tc_predict(hd, rl, tl, Wp1, bp1.reshape(1, -1),
                        Wp2.reshape(1, -1), bp2.reshape(1, 1))
    return score[:, 0]

# --- scband reference (transcript-rebuilt; emitter-appended) ---
"""Pipeline reference for scband-drug-disease-gnn-45681272160470 (READ-ONLY COPY).

The authoritative reference and input builder live on the scoring server;
editing this copy changes nothing except your own understanding.
"""

import jax, jax.numpy as jnp
import numpy as np

N = 10000
E = 320000
D = 128  # embedding_dim
H = 128  # hidden_dim
R = 64   # num_relations
B = 16384


def setup_inputs(seed: int = 0) -> dict:
    key = jax.random.key(seed)
    ks = jax.random.split(key, 12)
    edge_index = jax.random.randint(ks[0], (2, E), 0, N)
    head_ids = jax.random.randint(ks[1], (B,), 0, N)
    relation_ids = jax.random.randint(ks[2], (B,), 0, R)
    tail_ids = jax.random.randint(ks[3], (B,), 0, N)
    entity_emb = jax.random.normal(ks[4], (N, D), dtype=jnp.float32) * 0.02
    relation_emb = jax.random.normal(ks[5], (R, D), dtype=jnp.float32) * 0.02
    W0 = jax.random.normal(ks[6], (2 * D, H), dtype=jnp.float32) * 0.05
    b0 = jnp.zeros((H,), dtype=jnp.float32)
    W1 = jax.random.normal(ks[7], (2 * H, H), dtype=jnp.float32) * 0.05
    b1 = jnp.zeros((H,), dtype=jnp.float32)
    Wp1 = jax.random.normal(ks[8], (2 * H + D, H), dtype=jnp.float32) * 0.05
    bp1 = jnp.zeros((H,), dtype=jnp.float32)
    Wp2 = jax.random.normal(ks[9], (H, 1), dtype=jnp.float32) * 0.05
    bp2 = jnp.zeros((1,), dtype=jnp.float32)
    return {
        "entity_emb": entity_emb, "relation_emb": relation_emb,
        "W0": W0, "b0": b0, "W1": W1, "b1": b1,
        "Wp1": Wp1, "bp1": bp1, "Wp2": Wp2, "bp2": bp2,
        "edge_index": edge_index, "head_ids": head_ids,
        "relation_ids": relation_ids, "tail_ids": tail_ids,
    }


def _sage_layer(x, edge_index, W, b):
    row = edge_index[0]
    col = edge_index[1]
    neighbor_sum = jnp.zeros_like(x).at[row].add(x[col])
    neighbor_count = jnp.zeros((x.shape[0],), dtype=x.dtype).at[row].add(1.0)
    neighbor_mean = neighbor_sum / (neighbor_count[:, None] + 1e-08)
    combined = jnp.concatenate([x, neighbor_mean], axis=1)
    return jax.nn.relu(combined @ W + b)


def reference(entity_emb, relation_emb, W0, b0, W1, b1, Wp1, bp1, Wp2, bp2,
              edge_index, head_ids, relation_ids, tail_ids):
    # encode: two GraphSAGE layers over the full entity embedding table
    x = _sage_layer(entity_emb, edge_index, W0, b0)
    x = _sage_layer(x, edge_index, W1, b1)
    # predict_link (dropout omitted: eval mode)
    head = x[head_ids]
    tail = x[tail_ids]
    relation = relation_emb[relation_ids]
    combined = jnp.concatenate([head, relation, tail], axis=1)
    h = jax.nn.relu(combined @ Wp1 + bp1)
    score = (h @ Wp2 + bp2).squeeze(-1)
    return jax.nn.sigmoid(score)

if __name__ == "__main__":
    import jax
    _d = setup_inputs()
    print(jax.jit(kernel)(*tuple(_d.values())))

</pallas_src>

<mosaic_0001>
#map = affine_map<(d0, d1) -> (0, 0)>
#map1 = affine_map<(d0, d1) -> (0)>
#map2 = affine_map<(d0, d1) -> (0, 0, 0)>
module attributes {stable_mosaic.version = 14 : i64} {
  func.func @body(%arg0: i32, %arg1: i32, %arg2: memref<10000x128xf32, #tpu.memory_space<hbm>>, %arg3: memref<320000xi32, #tpu.memory_space<hbm>>, %arg4: memref<320000xi32, #tpu.memory_space<hbm>>, %arg5: memref<2x10240x128xf32, #tpu.memory_space<hbm>>, %arg6: memref<80xi32, #tpu.memory_space<vmem>>, %arg7: memref<80xi32, #tpu.memory_space<vmem>>, %arg8: memref<80xi32, #tpu.memory_space<vmem>>, %arg9: memref<80x128xf32, #tpu.memory_space<vmem>>, %arg10: memref<10240x128xf32, #tpu.memory_space<vmem_shared>>, %arg11: memref<!tpu.dma_semaphore, #tpu.memory_space<semaphore_mem>>) attributes {dimension_semantics = [#tpu.dimension_semantics<core_parallel>, #tpu.dimension_semantics<subcore_parallel>], iteration_bounds = array<i64: 2, 16>, scalar_prefetch = 0 : i64, scratch_operands = 6 : i64, tpu.core_type = #tpu.core_type<sc_vector_subcore>, window_params = [{transform_indices = #map}, {transform_indices = #map1}, {transform_indices = #map1}, {transform_indices = #map2}]} {
    %mul3A = arith.constant 16 : i32
    %mul3A_0 = arith.muli %arg0, %mul3A : i32
    %add3A = arith.addi %mul3A_0, %arg1 : i32
    %mul3A_1 = arith.constant 640 : i32
    %mul3A_2 = arith.muli %arg1, %mul3A_1 : i32
    %mul3A_3 = arith.constant 10000 : i32
    %mul3A_4 = arith.muli %add3A, %mul3A_3 : i32
    %broadcast_in_dim3A = arith.constant 0.000000e+00 : f32
    %broadcast_in_dim3A_5 = vector.broadcast %broadcast_in_dim3A : f32 to vector<16xf32>
    %scan3A = arith.constant 0 : i32
    %scan3A_6 = arith.constant 0 : i32
    %scan3A_7 = arith.constant 80 : i32
    %scan3A_8 = arith.addi %scan3A_6, %scan3A_7 : i32
    %scan3A_9 = arith.constant 1 : i32
    scf.for %scan3A_30 = %scan3A_6 to %scan3A_8 step %scan3A_9  : i32 {
      %swap3A = arith.index_cast %scan3A_30 : i32 to index
      %swap3A_31 = arith.constant 0 : index
      %swap3A_32 = tpu.vector_load %arg9[%swap3A, %swap3A_31] {strides = array<i32>} : memref<80x128xf32, #tpu.memory_space<vmem>>, vector<1x16xf32>,
      %swap3A_33 = vector.shape_cast %swap3A_32 : vector<1x16xf32> to vector<16xf32>
      %swap3A_34 = vector.shape_cast %broadcast_in_dim3A_5 : vector<16xf32> to vector<1x16xf32>
      tpu.vector_store %arg9[%swap3A, %swap3A_31], %swap3A_34 {strides = array<i32>} : memref<80x128xf32, #tpu.memory_space<vmem>>, vector<1x16xf32>,
      %swap3A_35 = arith.index_cast %scan3A_30 : i32 to index
      %swap3A_36 = arith.constant 16 : index
      %swap3A_37 = tpu.vector_load %arg9[%swap3A_35, %swap3A_36] {strides = array<i32>} : memref<80x128xf32, #tpu.memory_space<vmem>>, vector<1x16xf32>,
      %swap3A_38 = vector.shape_cast %swap3A_37 : vector<1x16xf32> to vector<16xf32>
      %swap3A_39 = vector.shape_cast %broadcast_in_dim3A_5 : vector<16xf32> to vector<1x16xf32>
      tpu.vector_store %arg9[%swap3A_35, %swap3A_36], %swap3A_39 {strides = array<i32>} : memref<80x128xf32, #tpu.memory_space<vmem>>, vector<1x16xf32>,
      %swap3A_40 = arith.index_cast %scan3A_30 : i32 to index
      %swap3A_41 = arith.constant 32 : index
      %swap3A_42 = tpu.vector_load %arg9[%swap3A_40, %swap3A_41] {strides = array<i32>} : memref<80x128xf32, #tpu.memory_space<vmem>>, vector<1x16xf32>,
      %swap3A_43 = vector.shape_cast %swap3A_42 : vector<1x16xf32> to vector<16xf32>
      %swap3A_44 = vector.shape_cast %broadcast_in_dim3A_5 : vector<16xf32> to vector<1x16xf32>
      tpu.vector_store %arg9[%swap3A_40, %swap3A_41], %swap3A_44 {strides = array<i32>} : memref<80x128xf32, #tpu.memory_space<vmem>>, vector<1x16xf32>,
      %swap3A_45 = arith.index_cast %scan3A_30 : i32 to index
      %swap3A_46 = arith.constant 48 : index
      %swap3A_47 = tpu.vector_load %arg9[%swap3A_45, %swap3A_46] {strides = array<i32>} : memref<80x128xf32, #tpu.memory_space<vmem>>, vector<1x16xf32>,
      %swap3A_48 = vector.shape_cast %swap3A_47 : vector<1x16xf32> to vector<16xf32>
      %swap3A_49 = vector.shape_cast %broadcast_in_dim3A_5 : vector<16xf32> to vector<1x16xf32>
      tpu.vector_store %arg9[%swap3A_45, %swap3A_46], %swap3A_49 {strides = array<i32>} : memref<80x128xf32, #tpu.memory_space<vmem>>, vector<1x16xf32>,
      %swap3A_50 = arith.index_cast %scan3A_30 : i32 to index
      %swap3A_51 = arith.constant 64 : index
      %swap3A_52 = tpu.vector_load %arg9[%swap3A_50, %swap3A_51] {strides = array<i32>} : memref<80x128xf32, #tpu.memory_space<vmem>>, vector<1x16xf32>,
      %swap3A_53 = vector.shape_cast %swap3A_52 : vector<1x16xf32> to vector<16xf32>
      %swap3A_54 = vector.shape_cast %broadcast_in_dim3A_5 : vector<16xf32> to vector<1x16xf32>
      tpu.vector_store %arg9[%swap3A_50, %swap3A_51], %swap3A_54 {strides = array<i32>} : memref<80x128xf32, #tpu.memory_space<vmem>>, vector<1x16xf32>,
      %swap3A_55 = arith.index_cast %scan3A_30 : i32 to index
      %swap3A_56 = arith.constant 80 : index
      %swap3A_57 = tpu.vector_load %arg9[%swap3A_55, %swap3A_56] {strides = array<i32>} : memref<80x128xf32, #tpu.memory_space<vmem>>, vector<1x16xf32>,
      %swap3A_58 = vector.shape_cast %swap3A_57 : vector<1x16xf32> to vector<16xf32>
      %swap3A_59 = vector.shape_cast %broadcast_in_dim3A_5 : vector<16xf32> to vector<1x16xf32>
      tpu.vector_store %arg9[%swap3A_55, %swap3A_56], %swap3A_59 {strides = array<i32>} : memref<80x128xf32, #tpu.memory_space<vmem>>, vector<1x16xf32>,
      %swap3A_60 = arith.index_cast %scan3A_30 : i32 to index
      %swap3A_61 = arith.constant 96 : index
      %swap3A_62 = tpu.vector_load %arg9[%swap3A_60, %swap3A_61] {strides = array<i32>} : memref<80x128xf32, #tpu.memory_space<vmem>>, vector<1x16xf32>,
      %swap3A_63 = vector.shape_cast %swap3A_62 : vector<1x16xf32> to vector<16xf32>
      %swap3A_64 = vector.shape_cast %broadcast_in_dim3A_5 : vector<16xf32> to vector<1x16xf32>
      tpu.vector_store %arg9[%swap3A_60, %swap3A_61], %swap3A_64 {strides = array<i32>} : memref<80x128xf32, #tpu.memory_space<vmem>>, vector<1x16xf32>,
      %swap3A_65 = arith.index_cast %scan3A_30 : i32 to index
      %swap3A_66 = arith.constant 112 : index
      %swap3A_67 = tpu.vector_load %arg9[%swap3A_65, %swap3A_66] {strides = array<i32>} : memref<80x128xf32, #tpu.memory_space<vmem>>, vector<1x16xf32>,
      %swap3A_68 = vector.shape_cast %swap3A_67 : vector<1x16xf32> to vector<16xf32>
      %swap3A_69 = vector.shape_cast %broadcast_in_dim3A_5 : vector<16xf32> to vector<1x16xf32>
      tpu.vector_store %arg9[%swap3A_65, %swap3A_66], %swap3A_69 {strides = array<i32>} : memref<80x128xf32, #tpu.memory_space<vmem>>, vector<1x16xf32>,
    }
    %scan3A_10 = arith.constant 80 : i32
    %scan3A_11 = arith.constant 0 : i32
    %scan3A_12 = arith.constant 0 : i32
    %scan3A_13 = arith.constant 8 : i32
    %scan3A_14 = arith.addi %scan3A_12, %scan3A_13 : i32
    %scan3A_15 = arith.constant 1 : i32
    scf.for %scan3A_30 = %scan3A_12 to %scan3A_14 step %scan3A_15  : i32 {
      %mul3A_31 = arith.constant 80 : i32
      %mul3A_32 = arith.muli %scan3A_30, %mul3A_31 : i32
      %add3A_33 = arith.addi %mul3A_2, %mul3A_32 : i32
      %iota3A = tpu.iota {dimensions = array<i32: 0>} : vector<16xi32>
      %add3A_34 = arith.constant 0 : i32
      %add3A_35 = arith.addi %add3A_33, %add3A_34 : i32
      %add3A_36 = vector.broadcast %add3A_35 : i32 to vector<16xi32>
      %add3A_37 = arith.addi %iota3A, %add3A_36 : vector<16xi32>
      %swap3A = arith.constant 0 : index
      %swap3A_38 = tpu.vector_load %arg8[%swap3A] {strides = array<i32>} : memref<80xi32, #tpu.memory_space<vmem>>, vector<16xi32>,
      %swap3A_39 = vector.shape_cast %swap3A_38 : vector<16xi32> to vector<16xi32>
      %swap3A_40 = vector.shape_cast %add3A_37 : vector<16xi32> to vector<16xi32>
      tpu.vector_store %arg8[%swap3A], %swap3A_40 {strides = array<i32>} : memref<80xi32, #tpu.memory_space<vmem>>, vector<16xi32>,
      %add3A_41 = arith.constant 16 : i32
      %add3A_42 = arith.addi %add3A_33, %add3A_41 : i32
      %add3A_43 = vector.broadcast %add3A_42 : i32 to vector<16xi32>
      %add3A_44 = arith.addi %iota3A, %add3A_43 : vector<16xi32>
      %swap3A_45 = arith.constant 16 : index
      %swap3A_46 = tpu.vector_load %arg8[%swap3A_45] {strides = array<i32>} : memref<80xi32, #tpu.memory_space<vmem>>, vector<16xi32>,
      %swap3A_47 = vector.shape_cast %swap3A_46 : vector<16xi32> to vector<16xi32>
      %swap3A_48 = vector.shape_cast %add3A_44 : vector<16xi32> to vector<16xi32>
      tpu.vector_store %arg8[%swap3A_45], %swap3A_48 {strides = array<i32>} : memref<80xi32, #tpu.memory_space<vmem>>, vector<16xi32>,
      %add3A_49 = arith.constant 32 : i32
      %add3A_50 = arith.addi %add3A_33, %add3A_49 : i32
      %add3A_51 = vector.broadcast %add3A_50 : i32 to vector<16xi32>
      %add3A_52 = arith.addi %iota3A, %add3A_51 : vector<16xi32>
      %swap3A_53 = arith.constant 32 : index
      %swap3A_54 = tpu.vector_load %arg8[%swap3A_53] {strides = array<i32>} : memref<80xi32, #tpu.memory_space<vmem>>, vector<16xi32>,
      %swap3A_55 = vector.shape_cast %swap3A_54 : vector<16xi32> to vector<16xi32>
      %swap3A_56 = vector.shape_cast %add3A_52 : vector<16xi32> to vector<16xi32>
      tpu.vector_store %arg8[%swap3A_53], %swap3A_56 {strides = array<i32>} : memref<80xi32, #tpu.memory_space<vmem>>, vector<16xi32>,
      %add3A_57 = arith.constant 48 : i32
      %add3A_58 = arith.addi %add3A_33, %add3A_57 : i32
      %add3A_59 = vector.broadcast %add3A_58 : i32 to vector<16xi32>
      %add3A_60 = arith.addi %iota3A, %add3A_59 : vector<16xi32>
      %swap3A_61 = arith.constant 48 : index
      %swap3A_62 = tpu.vector_load %arg8[%swap3A_61] {strides = array<i32>} : memref<80xi32, #tpu.memory_space<vmem>>, vector<16xi32>,
      %swap3A_63 = vector.shape_cast %swap3A_62 : vector<16xi32> to vector<16xi32>
      %swap3A_64 = vector.shape_cast %add3A_60 : vector<16xi32> to vector<16xi32>
      tpu.vector_store %arg8[%swap3A_61], %swap3A_64 {strides = array<i32>} : memref<80xi32, #tpu.memory_space<vmem>>, vector<16xi32>,
      %add3A_65 = arith.constant 64 : i32
      %add3A_66 = arith.addi %add3A_33, %add3A_65 : i32
      %add3A_67 = vector.broadcast %add3A_66 : i32 to vector<16xi32>
      %add3A_68 = arith.addi %iota3A, %add3A_67 : vector<16xi32>
      %swap3A_69 = arith.constant 64 : index
      %swap3A_70 = tpu.vector_load %arg8[%swap3A_69] {strides = array<i32>} : memref<80xi32, #tpu.memory_space<vmem>>, vector<16xi32>,
      %swap3A_71 = vector.shape_cast %swap3A_70 : vector<16xi32> to vector<16xi32>
      %swap3A_72 = vector.shape_cast %add3A_68 : vector<16xi32> to vector<16xi32>
      tpu.vector_store %arg8[%swap3A_69], %swap3A_72 {strides = array<i32>} : memref<80xi32, #tpu.memory_space<vmem>>, vector<16xi32>,
      "tpu.region"() ({
        %run_scoped3A = tpu.sem_alloc : memref<!tpu.dma_semaphore, #tpu.memory_space<semaphore_mem>>
        %dma_start3A = arith.constant 0 : i32
        %dma_start3A_73 = arith.constant 0 : i32
        %dma_start3A_74 = tpu.memref_slice %arg10[%dma_start3A, %dma_start3A_73] : memref<10240x128xf32, #tpu.memory_space<vmem_shared>> -> memref<10240x128xf32, #tpu.memory_space<vmem_shared>>
        tpu.enqueue_indirect_dma source(%arg9 : memref<80x128xf32, #tpu.memory_space<vmem>>) target(%dma_start3A_74 : memref<10240x128xf32, #tpu.memory_space<vmem_shared>>) offsets(%arg8 : memref<80xi32, #tpu.memory_space<vmem>>) semaphore(%run_scoped3A : memref<!tpu.dma_semaphore, #tpu.memory_space<semaphore_mem>>)
        %dma_wait3A = arith.constant 0 : i32
        %dma_wait3A_75 = arith.constant 0 : i32
        %dma_wait3A_76 = tpu.memref_slice %arg10[%dma_wait3A, %dma_wait3A_75] : memref<10240x128xf32, #tpu.memory_space<vmem_shared>> -> memref<10240x128xf32, #tpu.memory_space<vmem_shared>>
        tpu.wait_indirect_dma semaphore(%run_scoped3A : memref<!tpu.dma_semaphore, #tpu.memory_space<semaphore_mem>>) src(%arg9 : memref<80x128xf32, #tpu.memory_space<vmem>>) dst(%dma_wait3A_76 : memref<10240x128xf32, #tpu.memory_space<vmem_shared>>)
        tpu.yield
      }) : () -> ()
    }
    %scan3A_16 = arith.constant 8 : i32
    %barrier3A = arith.constant 0 : index
    tpu.barrier barrier_id(%barrier3A)
    %scan3A_17 = arith.constant 0 : i32
    %scan3A_18 = arith.constant 0 : i32
    %scan3A_19 = arith.constant 125 : i32
    %scan3A_20 = arith.addi %scan3A_18, %scan3A_19 : i32
    %scan3A_21 = arith.constant 1 : i32
    scf.for %scan3A_30 = %scan3A_18 to %scan3A_20 step %scan3A_21  : i32 {
      %mul3A_31 = arith.constant 80 : i32
      %mul3A_32 = arith.muli %scan3A_30, %mul3A_31 : i32
      %add3A_33 = arith.addi %mul3A_4, %mul3A_32 : i32
      "tpu.region"() ({
        %run_scoped3A = tpu.sem_alloc : memref<!tpu.dma_semaphore, #tpu.memory_space<semaphore_mem>>
        %dma_start3A_38 = tpu.memref_slice %arg4[%add3A_33] : memref<320000xi32, #tpu.memory_space<hbm>> -> memref<80xi32, #tpu.memory_space<hbm>>
        %dma_start3A_39 = tpu.memref_slice %arg4[%add3A_33] : memref<320000xi32, #tpu.memory_space<hbm>> -> memref<80xi32, #tpu.memory_space<hbm>>
        tpu.enqueue_dma source(%dma_start3A_39 : memref<80xi32, #tpu.memory_space<hbm>>) target(%arg7 : memref<80xi32, #tpu.memory_space<vmem>>) target_semaphore(%run_scoped3A : memref<!tpu.dma_semaphore, #tpu.memory_space<semaphore_mem>>)
        %dma_wait3A_40 = tpu.memref_slice %arg4[%add3A_33] : memref<320000xi32, #tpu.memory_space<hbm>> -> memref<80xi32, #tpu.memory_space<hbm>>
        %dma_wait3A_41 = tpu.memref_slice %arg4[%add3A_33] : memref<320000xi32, #tpu.memory_space<hbm>> -> memref<80xi32, #tpu.memory_space<hbm>>
        tpu.wait_dma2 semaphore(%run_scoped3A : memref<!tpu.dma_semaphore, #tpu.memory_space<semaphore_mem>>) src(%dma_wait3A_41 : memref<80xi32, #tpu.memory_space<hbm>>) dst(%arg7 : memref<80xi32, #tpu.memory_space<vmem>>)
        tpu.yield
      }) : () -> ()
      "tpu.region"() ({
        %run_scoped3A = tpu.sem_alloc : memref<!tpu.dma_semaphore, #tpu.memory_space<semaphore_mem>>
        %dma_start3A_38 = tpu.memref_slice %arg3[%add3A_33] : memref<320000xi32, #tpu.memory_space<hbm>> -> memref<80xi32, #tpu.memory_space<hbm>>
        %dma_start3A_39 = tpu.memref_slice %arg3[%add3A_33] : memref<320000xi32, #tpu.memory_space<hbm>> -> memref<80xi32, #tpu.memory_space<hbm>>
        tpu.enqueue_dma source(%dma_start3A_39 : memref<80xi32, #tpu.memory_space<hbm>>) target(%arg6 : memref<80xi32, #tpu.memory_space<vmem>>) target_semaphore(%run_scoped3A : memref<!tpu.dma_semaphore, #tpu.memory_space<semaphore_mem>>)
        %dma_wait3A_40 = tpu.memref_slice %arg3[%add3A_33] : memref<320000xi32, #tpu.memory_space<hbm>> -> memref<80xi32, #tpu.memory_space<hbm>>
        %dma_wait3A_41 = tpu.memref_slice %arg3[%add3A_33] : memref<320000xi32, #tpu.memory_space<hbm>> -> memref<80xi32, #tpu.memory_space<hbm>>
        tpu.wait_dma2 semaphore(%run_scoped3A : memref<!tpu.dma_semaphore, #tpu.memory_space<semaphore_mem>>) src(%dma_wait3A_41 : memref<80xi32, #tpu.memory_space<hbm>>) dst(%arg6 : memref<80xi32, #tpu.memory_space<vmem>>)
        tpu.yield
      }) : () -> ()
      %dma_start3A = arith.constant 0 : i32
      %dma_start3A_34 = arith.constant 0 : i32
      %dma_start3A_35 = tpu.memref_slice %arg2[%dma_start3A, %dma_start3A_34] : memref<10000x128xf32, #tpu.memory_space<hbm>> -> memref<10000x128xf32, #tpu.memory_space<hbm>>
      tpu.enqueue_indirect_dma source(%dma_start3A_35 : memref<10000x128xf32, #tpu.memory_space<hbm>>) target(%arg9 : memref<80x128xf32, #tpu.memory_space<vmem>>) offsets(%arg7 : memref<80xi32, #tpu.memory_space<vmem>>) semaphore(%arg11 : memref<!tpu.dma_semaphore, #tpu.memory_space<semaphore_mem>>)
      %dma_wait3A = arith.constant 0 : i32
      %dma_wait3A_36 = arith.constant 0 : i32
      %dma_wait3A_37 = tpu.memref_slice %arg2[%dma_wait3A, %dma_wait3A_36] : memref<10000x128xf32, #tpu.memory_space<hbm>> -> memref<10000x128xf32, #tpu.memory_space<hbm>>
      tpu.wait_indirect_dma semaphore(%arg11 : memref<!tpu.dma_semaphore, #tpu.memory_space<semaphore_mem>>) src(%dma_wait3A_37 : memref<10000x128xf32, #tpu.memory_space<hbm>>) dst(%arg9 : memref<80x128xf32, #tpu.memory_space<vmem>>)
      "tpu.region"() ({
        %run_scoped3A = tpu.sem_alloc : memref<!tpu.dma_semaphore, #tpu.memory_space<semaphore_mem>>
        %dma_start3A_38 = arith.constant 0 : i32
        %dma_start3A_39 = arith.constant 0 : i32
        %dma_start3A_40 = tpu.memref_slice %arg10[%dma_start3A_38, %dma_start3A_39] : memref<10240x128xf32, #tpu.memory_space<vmem_shared>> -> memref<10240x128xf32, #tpu.memory_space<vmem_shared>>
        tpu.enqueue_indirect_dma source(%arg9 : memref<80x128xf32, #tpu.memory_space<vmem>>) target(%dma_start3A_40 : memref<10240x128xf32, #tpu.memory_space<vmem_shared>>) offsets(%arg6 : memref<80xi32, #tpu.memory_space<vmem>>) semaphore(%run_scoped3A : memref<!tpu.dma_semaphore, #tpu.memory_space<semaphore_mem>>) {add = true}
        %dma_wait3A_41 = arith.constant 0 : i32
        %dma_wait3A_42 = arith.constant 0 : i32
        %dma_wait3A_43 = tpu.memref_slice %arg10[%dma_wait3A_41, %dma_wait3A_42] : memref<10240x128xf32, #tpu.memory_space<vmem_shared>> -> memref<10240x128xf32, #tpu.memory_space<vmem_shared>>
        tpu.wait_indirect_dma semaphore(%run_scoped3A : memref<!tpu.dma_semaphore, #tpu.memory_space<semaphore_mem>>) src(%arg9 : memref<80x128xf32, #tpu.memory_space<vmem>>) dst(%dma_wait3A_43 : memref<10240x128xf32, #tpu.memory_space<vmem_shared>>)
        tpu.yield
      }) : () -> ()
    }
    %scan3A_22 = arith.constant 125 : i32
    %barrier3A_23 = arith.constant 0 : index
    tpu.barrier barrier_id(%barrier3A_23)
    %scan3A_24 = arith.constant 0 : i32
    %scan3A_25 = arith.constant 0 : i32
    %scan3A_26 = arith.constant 8 : i32
    %scan3A_27 = arith.addi %scan3A_25, %scan3A_26 : i32
    %scan3A_28 = arith.constant 1 : i32
    scf.for %scan3A_30 = %scan3A_25 to %scan3A_27 step %scan3A_28  : i32 {
      %mul3A_31 = arith.constant 80 : i32
      %mul3A_32 = arith.muli %scan3A_30, %mul3A_31 : i32
      %add3A_33 = arith.addi %mul3A_2, %mul3A_32 : i32
      %iota3A = tpu.iota {dimensions = array<i32: 0>} : vector<16xi32>
      %add3A_34 = arith.constant 0 : i32
      %add3A_35 = arith.addi %add3A_33, %add3A_34 : i32
      %add3A_36 = vector.broadcast %add3A_35 : i32 to vector<16xi32>
      %add3A_37 = arith.addi %iota3A, %add3A_36 : vector<16xi32>
      %swap3A = arith.constant 0 : index
      %swap3A_38 = tpu.vector_load %arg8[%swap3A] {strides = array<i32>} : memref<80xi32, #tpu.memory_space<vmem>>, vector<16xi32>,
      %swap3A_39 = vector.shape_cast %swap3A_38 : vector<16xi32> to vector<16xi32>
      %swap3A_40 = vector.shape_cast %add3A_37 : vector<16xi32> to vector<16xi32>
      tpu.vector_store %arg8[%swap3A], %swap3A_40 {strides = array<i32>} : memref<80xi32, #tpu.memory_space<vmem>>, vector<16xi32>,
      %add3A_41 = arith.constant 16 : i32
      %add3A_42 = arith.addi %add3A_33, %add3A_41 : i32
      %add3A_43 = vector.broadcast %add3A_42 : i32 to vector<16xi32>
      %add3A_44 = arith.addi %iota3A, %add3A_43 : vector<16xi32>
      %swap3A_45 = arith.constant 16 : index
      %swap3A_46 = tpu.vector_load %arg8[%swap3A_45] {strides = array<i32>} : memref<80xi32, #tpu.memory_space<vmem>>, vector<16xi32>,
      %swap3A_47 = vector.shape_cast %swap3A_46 : vector<16xi32> to vector<16xi32>
      %swap3A_48 = vector.shape_cast %add3A_44 : vector<16xi32> to vector<16xi32>
      tpu.vector_store %arg8[%swap3A_45], %swap3A_48 {strides = array<i32>} : memref<80xi32, #tpu.memory_space<vmem>>, vector<16xi32>,
      %add3A_49 = arith.constant 32 : i32
      %add3A_50 = arith.addi %add3A_33, %add3A_49 : i32
      %add3A_51 = vector.broadcast %add3A_50 : i32 to vector<16xi32>
      %add3A_52 = arith.addi %iota3A, %add3A_51 : vector<16xi32>
      %swap3A_53 = arith.constant 32 : index
      %swap3A_54 = tpu.vector_load %arg8[%swap3A_53] {strides = array<i32>} : memref<80xi32, #tpu.memory_space<vmem>>, vector<16xi32>,
      %swap3A_55 = vector.shape_cast %swap3A_54 : vector<16xi32> to vector<16xi32>
      %swap3A_56 = vector.shape_cast %add3A_52 : vector<16xi32> to vector<16xi32>
      tpu.vector_store %arg8[%swap3A_53], %swap3A_56 {strides = array<i32>} : memref<80xi32, #tpu.memory_space<vmem>>, vector<16xi32>,
      %add3A_57 = arith.constant 48 : i32
      %add3A_58 = arith.addi %add3A_33, %add3A_57 : i32
      %add3A_59 = vector.broadcast %add3A_58 : i32 to vector<16xi32>
      %add3A_60 = arith.addi %iota3A, %add3A_59 : vector<16xi32>
      %swap3A_61 = arith.constant 48 : index
      %swap3A_62 = tpu.vector_load %arg8[%swap3A_61] {strides = array<i32>} : memref<80xi32, #tpu.memory_space<vmem>>, vector<16xi32>,
      %swap3A_63 = vector.shape_cast %swap3A_62 : vector<16xi32> to vector<16xi32>
      %swap3A_64 = vector.shape_cast %add3A_60 : vector<16xi32> to vector<16xi32>
      tpu.vector_store %arg8[%swap3A_61], %swap3A_64 {strides = array<i32>} : memref<80xi32, #tpu.memory_space<vmem>>, vector<16xi32>,
      %add3A_65 = arith.constant 64 : i32
      %add3A_66 = arith.addi %add3A_33, %add3A_65 : i32
      %add3A_67 = vector.broadcast %add3A_66 : i32 to vector<16xi32>
      %add3A_68 = arith.addi %iota3A, %add3A_67 : vector<16xi32>
      %swap3A_69 = arith.constant 64 : index
      %swap3A_70 = tpu.vector_load %arg8[%swap3A_69] {strides = array<i32>} : memref<80xi32, #tpu.memory_space<vmem>>, vector<16xi32>,
      %swap3A_71 = vector.shape_cast %swap3A_70 : vector<16xi32> to vector<16xi32>
      %swap3A_72 = vector.shape_cast %add3A_68 : vector<16xi32> to vector<16xi32>
      tpu.vector_store %arg8[%swap3A_69], %swap3A_72 {strides = array<i32>} : memref<80xi32, #tpu.memory_space<vmem>>, vector<16xi32>,
      %dma_start3A = arith.constant 0 : i32
      %dma_start3A_73 = arith.constant 0 : i32
      %dma_start3A_74 = tpu.memref_slice %arg10[%dma_start3A, %dma_start3A_73] : memref<10240x128xf32, #tpu.memory_space<vmem_shared>> -> memref<10240x128xf32, #tpu.memory_space<vmem_shared>>
      tpu.enqueue_indirect_dma source(%dma_start3A_74 : memref<10240x128xf32, #tpu.memory_space<vmem_shared>>) target(%arg9 : memref<80x128xf32, #tpu.memory_space<vmem>>) offsets(%arg8 : memref<80xi32, #tpu.memory_space<vmem>>) semaphore(%arg11 : memref<!tpu.dma_semaphore, #tpu.memory_space<semaphore_mem>>)
      %dma_wait3A = arith.constant 0 : i32
      %dma_wait3A_75 = arith.constant 0 : i32
      %dma_wait3A_76 = tpu.memref_slice %arg10[%dma_wait3A, %dma_wait3A_75] : memref<10240x128xf32, #tpu.memory_space<vmem_shared>> -> memref<10240x128xf32, #tpu.memory_space<vmem_shared>>
      tpu.wait_indirect_dma semaphore(%arg11 : memref<!tpu.dma_semaphore, #tpu.memory_space<semaphore_mem>>) src(%dma_wait3A_76 : memref<10240x128xf32, #tpu.memory_space<vmem_shared>>) dst(%arg9 : memref<80x128xf32, #tpu.memory_space<vmem>>)
      %mul3A_77 = arith.constant 80 : i32
      %mul3A_78 = arith.muli %scan3A_30, %mul3A_77 : i32
      %add3A_79 = arith.addi %mul3A_2, %mul3A_78 : i32
      "tpu.region"() ({
        %run_scoped3A = tpu.sem_alloc : memref<!tpu.dma_semaphore, #tpu.memory_space<semaphore_mem>>
        %dma_start3A_80 = arith.constant 0 : i32
        %dma_start3A_81 = tpu.memref_slice %arg5[%arg0, %add3A_79, %dma_start3A_80] : memref<2x10240x128xf32, #tpu.memory_space<hbm>> -> memref<1x80x128xf32, #tpu.memory_space<hbm>>
        %dma_start3A_82 = tpu.memref_squeeze %dma_start3A_81 : memref<1x80x128xf32, #tpu.memory_space<hbm>> -> memref<80x128xf32, #tpu.memory_space<hbm>>
        %dma_start3A_83 = arith.constant 0 : i32
        %dma_start3A_84 = tpu.memref_slice %arg5[%arg0, %add3A_79, %dma_start3A_83] : memref<2x10240x128xf32, #tpu.memory_space<hbm>> -> memref<1x80x128xf32, #tpu.memory_space<hbm>>
        %dma_start3A_85 = tpu.memref_squeeze %dma_start3A_84 : memref<1x80x128xf32, #tpu.memory_space<hbm>> -> memref<80x128xf32, #tpu.memory_space<hbm>>
        tpu.enqueue_dma source(%arg9 : memref<80x128xf32, #tpu.memory_space<vmem>>) target(%dma_start3A_85 : memref<80x128xf32, #tpu.memory_space<hbm>>) target_semaphore(%run_scoped3A : memref<!tpu.dma_semaphore, #tpu.memory_space<semaphore_mem>>)
        %dma_wait3A_86 = arith.constant 0 : i32
        %dma_wait3A_87 = tpu.memref_slice %arg5[%arg0, %add3A_79, %dma_wait3A_86] : memref<2x10240x128xf32, #tpu.memory_space<hbm>> -> memref<1x80x128xf32, #tpu.memory_space<hbm>>
        %dma_wait3A_88 = tpu.memref_squeeze %dma_wait3A_87 : memref<1x80x128xf32, #tpu.memory_space<hbm>> -> memref<80x128xf32, #tpu.memory_space<hbm>>
        %dma_wait3A_89 = arith.constant 0 : i32
        %dma_wait3A_90 = tpu.memref_slice %arg5[%arg0, %add3A_79, %dma_wait3A_89] : memref<2x10240x128xf32, #tpu.memory_space<hbm>> -> memref<1x80x128xf32, #tpu.memory_space<hbm>>
        %dma_wait3A_91 = tpu.memref_squeeze %dma_wait3A_90 : memref<1x80x128xf32, #tpu.memory_space<hbm>> -> memref<80x128xf32, #tpu.memory_space<hbm>>
        tpu.wait_dma2 semaphore(%run_scoped3A : memref<!tpu.dma_semaphore, #tpu.memory_space<semaphore_mem>>) src(%arg9 : memref<80x128xf32, #tpu.memory_space<vmem>>) dst(%dma_wait3A_91 : memref<80x128xf32, #tpu.memory_space<hbm>>)
        tpu.yield
      }) : () -> ()
    }
    %scan3A_29 = arith.constant 8 : i32
    return
  }
}

#map = affine_map<(d0, d1) -> (0, 0)>
#map1 = affine_map<(d0, d1) -> (0)>
module attributes {stable_mosaic.version = 14 : i64} {
  func.func @body(%arg0: i32, %arg1: i32, %arg2: memref<10000x128xf32, #tpu.memory_space<hbm>>, %arg3: memref<64x128xf32, #tpu.memory_space<hbm>>, %arg4: memref<16384xi32, #tpu.memory_space<hbm>>, %arg5: memref<16384xi32, #tpu.memory_space<hbm>>, %arg6: memref<16384xi32, #tpu.memory_space<hbm>>, %arg7: memref<16384x128xf32, #tpu.memory_space<hbm>>, %arg8: memref<16384x128xf32, #tpu.memory_space<hbm>>, %arg9: memref<16384x128xf32, #tpu.memory_space<hbm>>, %arg10: memref<128xi32, #tpu.memory_space<vmem>>, %arg11: memref<128x128xf32, #tpu.memory_space<vmem>>, %arg12: memref<!tpu.dma_semaphore, #tpu.memory_space<semaphore_mem>>) attributes {dimension_semantics = [#tpu.dimension_semantics<core_parallel>, #tpu.dimension_semantics<subcore_parallel>], iteration_bounds = array<i64: 2, 16>, scalar_prefetch = 0 : i64, scratch_operands = 3 : i64, tpu.core_type = #tpu.core_type<sc_vector_subcore>, window_params = [{transform_indices = #map}, {transform_indices = #map}, {transform_indices = #map1}, {transform_indices = #map1}, {transform_indices = #map1}, {transform_indices = #map}, {transform_indices = #map}, {transform_indices = #map}]} {
    %mul3A = arith.constant 16 : i32
    %mul3A_0 = arith.muli %arg0, %mul3A : i32
    %add3A = arith.addi %mul3A_0, %arg1 : i32
    %mul3A_1 = arith.constant 512 : i32
    %mul3A_2 = arith.muli %add3A, %mul3A_1 : i32
    %scan3A = arith.constant 0 : i32
    %scan3A_3 = arith.constant 0 : i32
    %scan3A_4 = arith.constant 4 : i32
    %scan3A_5 = arith.addi %scan3A_3, %scan3A_4 : i32
    %scan3A_6 = arith.constant 1 : i32
    scf.for %scan3A_8 = %scan3A_3 to %scan3A_5 step %scan3A_6  : i32 {
      %mul3A_9 = arith.constant 128 : i32
      %mul3A_10 = arith.muli %scan3A_8, %mul3A_9 : i32
      %add3A_11 = arith.addi %mul3A_2, %mul3A_10 : i32
      "tpu.region"() ({
        %run_scoped3A = tpu.sem_alloc : memref<!tpu.dma_semaphore, #tpu.memory_space<semaphore_mem>>
        %dma_start3A_28 = tpu.memref_slice %arg4[%add3A_11] : memref<16384xi32, #tpu.memory_space<hbm>> -> memref<128xi32, #tpu.memory_space<hbm>>
        %dma_start3A_29 = tpu.memref_slice %arg4[%add3A_11] : memref<16384xi32, #tpu.memory_space<hbm>> -> memref<128xi32, #tpu.memory_space<hbm>>
        tpu.enqueue_dma source(%dma_start3A_29 : memref<128xi32, #tpu.memory_space<hbm>>) target(%arg10 : memref<128xi32, #tpu.memory_space<vmem>>) target_semaphore(%run_scoped3A : memref<!tpu.dma_semaphore, #tpu.memory_space<semaphore_mem>>)
        %dma_wait3A_30 = tpu.memref_slice %arg4[%add3A_11] : memref<16384xi32, #tpu.memory_space<hbm>> -> memref<128xi32, #tpu.memory_space<hbm>>
        %dma_wait3A_31 = tpu.memref_slice %arg4[%add3A_11] : memref<16384xi32, #tpu.memory_space<hbm>> -> memref<128xi32, #tpu.memory_space<hbm>>
        tpu.wait_dma2 semaphore(%run_scoped3A : memref<!tpu.dma_semaphore, #tpu.memory_space<semaphore_mem>>) src(%dma_wait3A_31 : memref<128xi32, #tpu.memory_space<hbm>>) dst(%arg10 : memref<128xi32, #tpu.memory_space<vmem>>)
        tpu.yield
      }) : () -> ()
      %dma_start3A = arith.constant 0 : i32
      %dma_start3A_12 = arith.constant 0 : i32
      %dma_start3A_13 = tpu.memref_slice %arg2[%dma_start3A, %dma_start3A_12] : memref<10000x128xf32, #tpu.memory_space<hbm>> -> memref<10000x128xf32, #tpu.memory_space<hbm>>
      tpu.enqueue_indirect_dma source(%dma_start3A_13 : memref<10000x128xf32, #tpu.memory_space<hbm>>) target(%arg11 : memref<128x128xf32, #tpu.memory_space<vmem>>) offsets(%arg10 : memref<128xi32, #tpu.memory_space<vmem>>) semaphore(%arg12 : memref<!tpu.dma_semaphore, #tpu.memory_space<semaphore_mem>>)
      %dma_wait3A = arith.constant 0 : i32
      %dma_wait3A_14 = arith.constant 0 : i32
      %dma_wait3A_15 = tpu.memref_slice %arg2[%dma_wait3A, %dma_wait3A_14] : memref<10000x128xf32, #tpu.memory_space<hbm>> -> memref<10000x128xf32, #tpu.memory_space<hbm>>
      tpu.wait_indirect_dma semaphore(%arg12 : memref<!tpu.dma_semaphore, #tpu.memory_space<semaphore_mem>>) src(%dma_wait3A_15 : memref<10000x128xf32, #tpu.memory_space<hbm>>) dst(%arg11 : memref<128x128xf32, #tpu.memory_space<vmem>>)
      "tpu.region"() ({
        %run_scoped3A = tpu.sem_alloc : memref<!tpu.dma_semaphore, #tpu.memory_space<semaphore_mem>>
        %dma_start3A_28 = arith.constant 0 : i32
        %dma_start3A_29 = tpu.memref_slice %arg7[%add3A_11, %dma_start3A_28] : memref<16384x128xf32, #tpu.memory_space<hbm>> -> memref<128x128xf32, #tpu.memory_space<hbm>>
        %dma_start3A_30 = arith.constant 0 : i32
        %dma_start3A_31 = tpu.memref_slice %arg7[%add3A_11, %dma_start3A_30] : memref<16384x128xf32, #tpu.memory_space<hbm>> -> memref<128x128xf32, #tpu.memory_space<hbm>>
        tpu.enqueue_dma source(%arg11 : memref<128x128xf32, #tpu.memory_space<vmem>>) target(%dma_start3A_31 : memref<128x128xf32, #tpu.memory_space<hbm>>) target_semaphore(%run_scoped3A : memref<!tpu.dma_semaphore, #tpu.memory_space<semaphore_mem>>)
        %dma_wait3A_32 = arith.constant 0 : i32
        %dma_wait3A_33 = tpu.memref_slice %arg7[%add3A_11, %dma_wait3A_32] : memref<16384x128xf32, #tpu.memory_space<hbm>> -> memref<128x128xf32, #tpu.memory_space<hbm>>
        %dma_wait3A_34 = arith.constant 0 : i32
        %dma_wait3A_35 = tpu.memref_slice %arg7[%add3A_11, %dma_wait3A_34] : memref<16384x128xf32, #tpu.memory_space<hbm>> -> memref<128x128xf32, #tpu.memory_space<hbm>>
        tpu.wait_dma2 semaphore(%run_scoped3A : memref<!tpu.dma_semaphore, #tpu.memory_space<semaphore_mem>>) src(%arg11 : memref<128x128xf32, #tpu.memory_space<vmem>>) dst(%dma_wait3A_35 : memref<128x128xf32, #tpu.memory_space<hbm>>)
        tpu.yield
      }) : () -> ()
      "tpu.region"() ({
        %run_scoped3A = tpu.sem_alloc : memref<!tpu.dma_semaphore, #tpu.memory_space<semaphore_mem>>
        %dma_start3A_28 = tpu.memref_slice %arg5[%add3A_11] : memref<16384xi32, #tpu.memory_space<hbm>> -> memref<128xi32, #tpu.memory_space<hbm>>
        %dma_start3A_29 = tpu.memref_slice %arg5[%add3A_11] : memref<16384xi32, #tpu.memory_space<hbm>> -> memref<128xi32, #tpu.memory_space<hbm>>
        tpu.enqueue_dma source(%dma_start3A_29 : memref<128xi32, #tpu.memory_space<hbm>>) target(%arg10 : memref<128xi32, #tpu.memory_space<vmem>>) target_semaphore(%run_scoped3A : memref<!tpu.dma_semaphore, #tpu.memory_space<semaphore_mem>>)
        %dma_wait3A_30 = tpu.memref_slice %arg5[%add3A_11] : memref<16384xi32, #tpu.memory_space<hbm>> -> memref<128xi32, #tpu.memory_space<hbm>>
        %dma_wait3A_31 = tpu.memref_slice %arg5[%add3A_11] : memref<16384xi32, #tpu.memory_space<hbm>> -> memref<128xi32, #tpu.memory_space<hbm>>
        tpu.wait_dma2 semaphore(%run_scoped3A : memref<!tpu.dma_semaphore, #tpu.memory_space<semaphore_mem>>) src(%dma_wait3A_31 : memref<128xi32, #tpu.memory_space<hbm>>) dst(%arg10 : memref<128xi32, #tpu.memory_space<vmem>>)
        tpu.yield
      }) : () -> ()
      %dma_start3A_16 = arith.constant 0 : i32
      %dma_start3A_17 = arith.constant 0 : i32
      %dma_start3A_18 = tpu.memref_slice %arg3[%dma_start3A_16, %dma_start3A_17] : memref<64x128xf32, #tpu.memory_space<hbm>> -> memref<64x128xf32, #tpu.memory_space<hbm>>
      tpu.enqueue_indirect_dma source(%dma_start3A_18 : memref<64x128xf32, #tpu.memory_space<hbm>>) target(%arg11 : memref<128x128xf32, #tpu.memory_space<vmem>>) offsets(%arg10 : memref<128xi32, #tpu.memory_space<vmem>>) semaphore(%arg12 : memref<!tpu.dma_semaphore, #tpu.memory_space<semaphore_mem>>)
      %dma_wait3A_19 = arith.constant 0 : i32
      %dma_wait3A_20 = arith.constant 0 : i32
      %dma_wait3A_21 = tpu.memref_slice %arg3[%dma_wait3A_19, %dma_wait3A_20] : memref<64x128xf32, #tpu.memory_space<hbm>> -> memref<64x128xf32, #tpu.memory_space<hbm>>
      tpu.wait_indirect_dma semaphore(%arg12 : memref<!tpu.dma_semaphore, #tpu.memory_space<semaphore_mem>>) src(%dma_wait3A_21 : memref<64x128xf32, #tpu.memory_space<hbm>>) dst(%arg11 : memref<128x128xf32, #tpu.memory_space<vmem>>)
      "tpu.region"() ({
        %run_scoped3A = tpu.sem_alloc : memref<!tpu.dma_semaphore, #tpu.memory_space<semaphore_mem>>
        %dma_start3A_28 = arith.constant 0 : i32
        %dma_start3A_29 = tpu.memref_slice %arg8[%add3A_11, %dma_start3A_28] : memref<16384x128xf32, #tpu.memory_space<hbm>> -> memref<128x128xf32, #tpu.memory_space<hbm>>
        %dma_start3A_30 = arith.constant 0 : i32
        %dma_start3A_31 = tpu.memref_slice %arg8[%add3A_11, %dma_start3A_30] : memref<16384x128xf32, #tpu.memory_space<hbm>> -> memref<128x128xf32, #tpu.memory_space<hbm>>
        tpu.enqueue_dma source(%arg11 : memref<128x128xf32, #tpu.memory_space<vmem>>) target(%dma_start3A_31 : memref<128x128xf32, #tpu.memory_space<hbm>>) target_semaphore(%run_scoped3A : memref<!tpu.dma_semaphore, #tpu.memory_space<semaphore_mem>>)
        %dma_wait3A_32 = arith.constant 0 : i32
        %dma_wait3A_33 = tpu.memref_slice %arg8[%add3A_11, %dma_wait3A_32] : memref<16384x128xf32, #tpu.memory_space<hbm>> -> memref<128x128xf32, #tpu.memory_space<hbm>>
        %dma_wait3A_34 = arith.constant 0 : i32
        %dma_wait3A_35 = tpu.memref_slice %arg8[%add3A_11, %dma_wait3A_34] : memref<16384x128xf32, #tpu.memory_space<hbm>> -> memref<128x128xf32, #tpu.memory_space<hbm>>
        tpu.wait_dma2 semaphore(%run_scoped3A : memref<!tpu.dma_semaphore, #tpu.memory_space<semaphore_mem>>) src(%arg11 : memref<128x128xf32, #tpu.memory_space<vmem>>) dst(%dma_wait3A_35 : memref<128x128xf32, #tpu.memory_space<hbm>>)
        tpu.yield
      }) : () -> ()
      "tpu.region"() ({
        %run_scoped3A = tpu.sem_alloc : memref<!tpu.dma_semaphore, #tpu.memory_space<semaphore_mem>>
        %dma_start3A_28 = tpu.memref_slice %arg6[%add3A_11] : memref<16384xi32, #tpu.memory_space<hbm>> -> memref<128xi32, #tpu.memory_space<hbm>>
        %dma_start3A_29 = tpu.memref_slice %arg6[%add3A_11] : memref<16384xi32, #tpu.memory_space<hbm>> -> memref<128xi32, #tpu.memory_space<hbm>>
        tpu.enqueue_dma source(%dma_start3A_29 : memref<128xi32, #tpu.memory_space<hbm>>) target(%arg10 : memref<128xi32, #tpu.memory_space<vmem>>) target_semaphore(%run_scoped3A : memref<!tpu.dma_semaphore, #tpu.memory_space<semaphore_mem>>)
        %dma_wait3A_30 = tpu.memref_slice %arg6[%add3A_11] : memref<16384xi32, #tpu.memory_space<hbm>> -> memref<128xi32, #tpu.memory_space<hbm>>
        %dma_wait3A_31 = tpu.memref_slice %arg6[%add3A_11] : memref<16384xi32, #tpu.memory_space<hbm>> -> memref<128xi32, #tpu.memory_space<hbm>>
        tpu.wait_dma2 semaphore(%run_scoped3A : memref<!tpu.dma_semaphore, #tpu.memory_space<semaphore_mem>>) src(%dma_wait3A_31 : memref<128xi32, #tpu.memory_space<hbm>>) dst(%arg10 : memref<128xi32, #tpu.memory_space<vmem>>)
        tpu.yield
      }) : () -> ()
      %dma_start3A_22 = arith.constant 0 : i32
      %dma_start3A_23 = arith.constant 0 : i32
      %dma_start3A_24 = tpu.memref_slice %arg2[%dma_start3A_22, %dma_start3A_23] : memref<10000x128xf32, #tpu.memory_space<hbm>> -> memref<10000x128xf32, #tpu.memory_space<hbm>>
      tpu.enqueue_indirect_dma source(%dma_start3A_24 : memref<10000x128xf32, #tpu.memory_space<hbm>>) target(%arg11 : memref<128x128xf32, #tpu.memory_space<vmem>>) offsets(%arg10 : memref<128xi32, #tpu.memory_space<vmem>>) semaphore(%arg12 : memref<!tpu.dma_semaphore, #tpu.memory_space<semaphore_mem>>)
      %dma_wait3A_25 = arith.constant 0 : i32
      %dma_wait3A_26 = arith.constant 0 : i32
      %dma_wait3A_27 = tpu.memref_slice %arg2[%dma_wait3A_25, %dma_wait3A_26] : memref<10000x128xf32, #tpu.memory_space<hbm>> -> memref<10000x128xf32, #tpu.memory_space<hbm>>
      tpu.wait_indirect_dma semaphore(%arg12 : memref<!tpu.dma_semaphore, #tpu.memory_space<semaphore_mem>>) src(%dma_wait3A_27 : memref<10000x128xf32, #tpu.memory_space<hbm>>) dst(%arg11 : memref<128x128xf32, #tpu.memory_space<vmem>>)
      "tpu.region"() ({
        %run_scoped3A = tpu.sem_alloc : memref<!tpu.dma_semaphore, #tpu.memory_space<semaphore_mem>>
        %dma_start3A_28 = arith.constant 0 : i32
        %dma_start3A_29 = tpu.memref_slice %arg9[%add3A_11, %dma_start3A_28] : memref<16384x128xf32, #tpu.memory_space<hbm>> -> memref<128x128xf32, #tpu.memory_space<hbm>>
        %dma_start3A_30 = arith.constant 0 : i32
        %dma_start3A_31 = tpu.memref_slice %arg9[%add3A_11, %dma_start3A_30] : memref<16384x128xf32, #tpu.memory_space<hbm>> -> memref<128x128xf32, #tpu.memory_space<hbm>>
        tpu.enqueue_dma source(%arg11 : memref<128x128xf32, #tpu.memory_space<vmem>>) target(%dma_start3A_31 : memref<128x128xf32, #tpu.memory_space<hbm>>) target_semaphore(%run_scoped3A : memref<!tpu.dma_semaphore, #tpu.memory_space<semaphore_mem>>)
        %dma_wait3A_32 = arith.constant 0 : i32
        %dma_wait3A_33 = tpu.memref_slice %arg9[%add3A_11, %dma_wait3A_32] : memref<16384x128xf32, #tpu.memory_space<hbm>> -> memref<128x128xf32, #tpu.memory_space<hbm>>
        %dma_wait3A_34 = arith.constant 0 : i32
        %dma_wait3A_35 = tpu.memref_slice %arg9[%add3A_11, %dma_wait3A_34] : memref<16384x128xf32, #tpu.memory_space<hbm>> -> memref<128x128xf32, #tpu.memory_space<hbm>>
        tpu.wait_dma2 semaphore(%run_scoped3A : memref<!tpu.dma_semaphore, #tpu.memory_space<semaphore_mem>>) src(%arg11 : memref<128x128xf32, #tpu.memory_space<vmem>>) dst(%dma_wait3A_35 : memref<128x128xf32, #tpu.memory_space<hbm>>)
        tpu.yield
      }) : () -> ()
    }
    %scan3A_7 = arith.constant 4 : i32
    return
  }
}

#map = affine_map<(d0, d1) -> (0, 0)>
#map1 = affine_map<(d0, d1) -> (0)>
#map2 = affine_map<(d0, d1) -> (0, 0, 0)>
module attributes {stable_mosaic.version = 14 : i64} {
  func.func @body(%arg0: i32, %arg1: i32, %arg2: memref<10000x128xf32, #tpu.memory_space<hbm>>, %arg3: memref<320000xi32, #tpu.memory_space<hbm>>, %arg4: memref<320000xi32, #tpu.memory_space<hbm>>, %arg5: memref<2x10240x128xf32, #tpu.memory_space<hbm>>, %arg6: memref<2x10240x128xf32, #tpu.memory_space<hbm>>, %arg7: memref<80xi32, #tpu.memory_space<vmem>>, %arg8: memref<80xi32, #tpu.memory_space<vmem>>, %arg9: memref<80xi32, #tpu.memory_space<vmem>>, %arg10: memref<80x128xf32, #tpu.memory_space<vmem>>, %arg11: memref<10240x128xf32, #tpu.memory_space<vmem_shared>>, %arg12: memref<!tpu.dma_semaphore, #tpu.memory_space<semaphore_mem>>) attributes {dimension_semantics = [#tpu.dimension_semantics<core_parallel>, #tpu.dimension_semantics<subcore_parallel>], iteration_bounds = array<i64: 2, 16>, scalar_prefetch = 0 : i64, scratch_operands = 6 : i64, tpu.core_type = #tpu.core_type<sc_vector_subcore>, window_params = [{transform_indices = #map}, {transform_indices = #map1}, {transform_indices = #map1}, {transform_indices = #map2}, {transform_indices = #map2}]} {
    %mul3A = arith.constant 16 : i32
    %mul3A_0 = arith.muli %arg0, %mul3A : i32
    %add3A = arith.addi %mul3A_0, %arg1 : i32
    %mul3A_1 = arith.constant 640 : i32
    %mul3A_2 = arith.muli %arg1, %mul3A_1 : i32
    %mul3A_3 = arith.constant 10000 : i32
    %mul3A_4 = arith.muli %add3A, %mul3A_3 : i32
    %broadcast_in_dim3A = arith.constant 0.000000e+00 : f32
    %broadcast_in_dim3A_5 = vector.broadcast %broadcast_in_dim3A : f32 to vector<16xf32>
    %scan3A = arith.constant 0 : i32
    %scan3A_6 = arith.constant 0 : i32
    %scan3A_7 = arith.constant 80 : i32
    %scan3A_8 = arith.addi %scan3A_6, %scan3A_7 : i32
    %scan3A_9 = arith.constant 1 : i32
    scf.for %scan3A_66 = %scan3A_6 to %scan3A_8 step %scan3A_9  : i32 {
      %swap3A = arith.index_cast %scan3A_66 : i32 to index
      %swap3A_67 = arith.constant 0 : index
      %swap3A_68 = tpu.vector_load %arg10[%swap3A, %swap3A_67] {strides = array<i32>} : memref<80x128xf32, #tpu.memory_space<vmem>>, vector<1x16xf32>,
      %swap3A_69 = vector.shape_cast %swap3A_68 : vector<1x16xf32> to vector<16xf32>
      %swap3A_70 = vector.shape_cast %broadcast_in_dim3A_5 : vector<16xf32> to vector<1x16xf32>
      tpu.vector_store %arg10[%swap3A, %swap3A_67], %swap3A_70 {strides = array<i32>} : memref<80x128xf32, #tpu.memory_space<vmem>>, vector<1x16xf32>,
      %swap3A_71 = arith.index_cast %scan3A_66 : i32 to index
      %swap3A_72 = arith.constant 16 : index
      %swap3A_73 = tpu.vector_load %arg10[%swap3A_71, %swap3A_72] {strides = array<i32>} : memref<80x128xf32, #tpu.memory_space<vmem>>, vector<1x16xf32>,
      %swap3A_74 = vector.shape_cast %swap3A_73 : vector<1x16xf32> to vector<16xf32>
      %swap3A_75 = vector.shape_cast %broadcast_in_dim3A_5 : vector<16xf32> to vector<1x16xf32>
      tpu.vector_store %arg10[%swap3A_71, %swap3A_72], %swap3A_75 {strides = array<i32>} : memref<80x128xf32, #tpu.memory_space<vmem>>, vector<1x16xf32>,
      %swap3A_76 = arith.index_cast %scan3A_66 : i32 to index
      %swap3A_77 = arith.constant 32 : index
      %swap3A_78 = tpu.vector_load %arg10[%swap3A_76, %swap3A_77] {strides = array<i32>} : memref<80x128xf32, #tpu.memory_space<vmem>>, vector<1x16xf32>,
      %swap3A_79 = vector.shape_cast %swap3A_78 : vector<1x16xf32> to vector<16xf32>
      %swap3A_80 = vector.shape_cast %broadcast_in_dim3A_5 : vector<16xf32> to vector<1x16xf32>
      tpu.vector_store %arg10[%swap3A_76, %swap3A_77], %swap3A_80 {strides = array<i32>} : memref<80x128xf32, #tpu.memory_space<vmem>>, vector<1x16xf32>,
      %swap3A_81 = arith.index_cast %scan3A_66 : i32 to index
      %swap3A_82 = arith.constant 48 : index
      %swap3A_83 = tpu.vector_load %arg10[%swap3A_81, %swap3A_82] {strides = array<i32>} : memref<80x128xf32, #tpu.memory_space<vmem>>, vector<1x16xf32>,
      %swap3A_84 = vector.shape_cast %swap3A_83 : vector<1x16xf32> to vector<16xf32>
      %swap3A_85 = vector.shape_cast %broadcast_in_dim3A_5 : vector<16xf32> to vector<1x16xf32>
      tpu.vector_store %arg10[%swap3A_81, %swap3A_82], %swap3A_85 {strides = array<i32>} : memref<80x128xf32, #tpu.memory_space<vmem>>, vector<1x16xf32>,
      %swap3A_86 = arith.index_cast %scan3A_66 : i32 to index
      %swap3A_87 = arith.constant 64 : index
      %swap3A_88 = tpu.vector_load %arg10[%swap3A_86, %swap3A_87] {strides = array<i32>} : memref<80x128xf32, #tpu.memory_space<vmem>>, vector<1x16xf32>,
      %swap3A_89 = vector.shape_cast %swap3A_88 : vector<1x16xf32> to vector<16xf32>
      %swap3A_90 = vector.shape_cast %broadcast_in_dim3A_5 : vector<16xf32> to vector<1x16xf32>
      tpu.vector_store %arg10[%swap3A_86, %swap3A_87], %swap3A_90 {strides = array<i32>} : memref<80x128xf32, #tpu.memory_space<vmem>>, vector<1x16xf32>,
      %swap3A_91 = arith.index_cast %scan3A_66 : i32 to index
      %swap3A_92 = arith.constant 80 : index
      %swap3A_93 = tpu.vector_load %arg10[%swap3A_91, %swap3A_92] {strides = array<i32>} : memref<80x128xf32, #tpu.memory_space<vmem>>, vector<1x16xf32>,
      %swap3A_94 = vector.shape_cast %swap3A_93 : vector<1x16xf32> to vector<16xf32>
      %swap3A_95 = vector.shape_cast %broadcast_in_dim3A_5 : vector<16xf32> to vector<1x16xf32>
      tpu.vector_store %arg10[%swap3A_91, %swap3A_92], %swap3A_95 {strides = array<i32>} : memref<80x128xf32, #tpu.memory_space<vmem>>, vector<1x16xf32>,
      %swap3A_96 = arith.index_cast %scan3A_66 : i32 to index
      %swap3A_97 = arith.constant 96 : index
      %swap3A_98 = tpu.vector_load %arg10[%swap3A_96, %swap3A_97] {strides = array<i32>} : memref<80x128xf32, #tpu.memory_space<vmem>>, vector<1x16xf32>,
      %swap3A_99 = vector.shape_cast %swap3A_98 : vector<1x16xf32> to vector<16xf32>
      %swap3A_100 = vector.shape_cast %broadcast_in_dim3A_5 : vector<16xf32> to vector<1x16xf32>
      tpu.vector_store %arg10[%swap3A_96, %swap3A_97], %swap3A_100 {strides = array<i32>} : memref<80x128xf32, #tpu.memory_space<vmem>>, vector<1x16xf32>,
      %swap3A_101 = arith.index_cast %scan3A_66 : i32 to index
      %swap3A_102 = arith.constant 112 : index
      %swap3A_103 = tpu.vector_load %arg10[%swap3A_101, %swap3A_102] {strides = array<i32>} : memref<80x128xf32, #tpu.memory_space<vmem>>, vector<1x16xf32>,
      %swap3A_104 = vector.shape_cast %swap3A_103 : vector<1x16xf32> to vector<16xf32>
      %swap3A_105 = vector.shape_cast %broadcast_in_dim3A_5 : vector<16xf32> to vector<1x16xf32>
      tpu.vector_store %arg10[%swap3A_101, %swap3A_102], %swap3A_105 {strides = array<i32>} : memref<80x128xf32, #tpu.memory_space<vmem>>, vector<1x16xf32>,
    }
    %scan3A_10 = arith.constant 80 : i32
    %scan3A_11 = arith.constant 0 : i32
    %scan3A_12 = arith.constant 0 : i32
    %scan3A_13 = arith.constant 8 : i32
    %scan3A_14 = arith.addi %scan3A_12, %scan3A_13 : i32
    %scan3A_15 = arith.constant 1 : i32
    scf.for %scan3A_66 = %scan3A_12 to %scan3A_14 step %scan3A_15  : i32 {
      %mul3A_67 = arith.constant 80 : i32
      %mul3A_68 = arith.muli %scan3A_66, %mul3A_67 : i32
      %add3A_69 = arith.addi %mul3A_2, %mul3A_68 : i32
      %iota3A = tpu.iota {dimensions = array<i32: 0>} : vector<16xi32>
      %add3A_70 = arith.constant 0 : i32
      %add3A_71 = arith.addi %add3A_69, %add3A_70 : i32
      %add3A_72 = vector.broadcast %add3A_71 : i32 to vector<16xi32>
      %add3A_73 = arith.addi %iota3A, %add3A_72 : vector<16xi32>
      %swap3A = arith.constant 0 : index
      %swap3A_74 = tpu.vector_load %arg9[%swap3A] {strides = array<i32>} : memref<80xi32, #tpu.memory_space<vmem>>, vector<16xi32>,
      %swap3A_75 = vector.shape_cast %swap3A_74 : vector<16xi32> to vector<16xi32>
      %swap3A_76 = vector.shape_cast %add3A_73 : vector<16xi32> to vector<16xi32>
      tpu.vector_store %arg9[%swap3A], %swap3A_76 {strides = array<i32>} : memref<80xi32, #tpu.memory_space<vmem>>, vector<16xi32>,
      %add3A_77 = arith.constant 16 : i32
      %add3A_78 = arith.addi %add3A_69, %add3A_77 : i32
      %add3A_79 = vector.broadcast %add3A_78 : i32 to vector<16xi32>
      %add3A_80 = arith.addi %iota3A, %add3A_79 : vector<16xi32>
      %swap3A_81 = arith.constant 16 : index
      %swap3A_82 = tpu.vector_load %arg9[%swap3A_81] {strides = array<i32>} : memref<80xi32, #tpu.memory_space<vmem>>, vector<16xi32>,
      %swap3A_83 = vector.shape_cast %swap3A_82 : vector<16xi32> to vector<16xi32>
      %swap3A_84 = vector.shape_cast %add3A_80 : vector<16xi32> to vector<16xi32>
      tpu.vector_store %arg9[%swap3A_81], %swap3A_84 {strides = array<i32>} : memref<80xi32, #tpu.memory_space<vmem>>, vector<16xi32>,
      %add3A_85 = arith.constant 32 : i32
      %add3A_86 = arith.addi %add3A_69, %add3A_85 : i32
      %add3A_87 = vector.broadcast %add3A_86 : i32 to vector<16xi32>
      %add3A_88 = arith.addi %iota3A, %add3A_87 : vector<16xi32>
      %swap3A_89 = arith.constant 32 : index
      %swap3A_90 = tpu.vector_load %arg9[%swap3A_89] {strides = array<i32>} : memref<80xi32, #tpu.memory_space<vmem>>, vector<16xi32>,
      %swap3A_91 = vector.shape_cast %swap3A_90 : vector<16xi32> to vector<16xi32>
      %swap3A_92 = vector.shape_cast %add3A_88 : vector<16xi32> to vector<16xi32>
      tpu.vector_store %arg9[%swap3A_89], %swap3A_92 {strides = array<i32>} : memref<80xi32, #tpu.memory_space<vmem>>, vector<16xi32>,
      %add3A_93 = arith.constant 48 : i32
      %add3A_94 = arith.addi %add3A_69, %add3A_93 : i32
      %add3A_95 = vector.broadcast %add3A_94 : i32 to vector<16xi32>
      %add3A_96 = arith.addi %iota3A, %add3A_95 : vector<16xi32>
      %swap3A_97 = arith.constant 48 : index
      %swap3A_98 = tpu.vector_load %arg9[%swap3A_97] {strides = array<i32>} : memref<80xi32, #tpu.memory_space<vmem>>, vector<16xi32>,
      %swap3A_99 = vector.shape_cast %swap3A_98 : vector<16xi32> to vector<16xi32>
      %swap3A_100 = vector.shape_cast %add3A_96 : vector<16xi32> to vector<16xi32>
      tpu.vector_store %arg9[%swap3A_97], %swap3A_100 {strides = array<i32>} : memref<80xi32, #tpu.memory_space<vmem>>, vector<16xi32>,
      %add3A_101 = arith.constant 64 : i32
      %add3A_102 = arith.addi %add3A_69, %add3A_101 : i32
      %add3A_103 = vector.broadcast %add3A_102 : i32 to vector<16xi32>
      %add3A_104 = arith.addi %iota3A, %add3A_103 : vector<16xi32>
      %swap3A_105 = arith.constant 64 : index
      %swap3A_106 = tpu.vector_load %arg9[%swap3A_105] {strides = array<i32>} : memref<80xi32, #tpu.memory_space<vmem>>, vector<16xi32>,
      %swap3A_107 = vector.shape_cast %swap3A_106 : vector<16xi32> to vector<16xi32>
      %swap3A_108 = vector.shape_cast %add3A_104 : vector<16xi32> to vector<16xi32>
      tpu.vector_store %arg9[%swap3A_105], %swap3A_108 {strides = array<i32>} : memref<80xi32, #tpu.memory_space<vmem>>, vector<16xi32>,
      "tpu.region"() ({
        %run_scoped3A = tpu.sem_alloc : memref<!tpu.dma_semaphore, #tpu.memory_space<semaphore_mem>>
        %dma_start3A = arith.constant 0 : i32
        %dma_start3A_109 = arith.constant 0 : i32
        %dma_start3A_110 = tpu.memref_slice %arg11[%dma_start3A, %dma_start3A_109] : memref<10240x128xf32, #tpu.memory_space<vmem_shared>> -> memref<10240x128xf32, #tpu.memory_space<vmem_shared>>
        tpu.enqueue_indirect_dma source(%arg10 : memref<80x128xf32, #tpu.memory_space<vmem>>) target(%dma_start3A_110 : memref<10240x128xf32, #tpu.memory_space<vmem_shared>>) offsets(%arg9 : memref<80xi32, #tpu.memory_space<vmem>>) semaphore(%run_scoped3A : memref<!tpu.dma_semaphore, #tpu.memory_space<semaphore_mem>>)
        %dma_wait3A = arith.constant 0 : i32
        %dma_wait3A_111 = arith.constant 0 : i32
        %dma_wait3A_112 = tpu.memref_slice %arg11[%dma_wait3A, %dma_wait3A_111] : memref<10240x128xf32, #tpu.memory_space<vmem_shared>> -> memref<10240x128xf32, #tpu.memory_space<vmem_shared>>
        tpu.wait_indirect_dma semaphore(%run_scoped3A : memref<!tpu.dma_semaphore, #tpu.memory_space<semaphore_mem>>) src(%arg10 : memref<80x128xf32, #tpu.memory_space<vmem>>) dst(%dma_wait3A_112 : memref<10240x128xf32, #tpu.memory_space<vmem_shared>>)
        tpu.yield
      }) : () -> ()
    }
    %scan3A_16 = arith.constant 8 : i32
    %barrier3A = arith.constant 0 : index
    tpu.barrier barrier_id(%barrier3A)
    %scan3A_17 = arith.constant 0 : i32
    %scan3A_18 = arith.constant 0 : i32
    %scan3A_19 = arith.constant 125 : i32
    %scan3A_20 = arith.addi %scan3A_18, %scan3A_19 : i32
    %scan3A_21 = arith.constant 1 : i32
    scf.for %scan3A_66 = %scan3A_18 to %scan3A_20 step %scan3A_21  : i32 {
      %mul3A_67 = arith.constant 80 : i32
      %mul3A_68 = arith.muli %scan3A_66, %mul3A_67 : i32
      %add3A_69 = arith.addi %mul3A_4, %mul3A_68 : i32
      "tpu.region"() ({
        %run_scoped3A = tpu.sem_alloc : memref<!tpu.dma_semaphore, #tpu.memory_space<semaphore_mem>>
        %dma_start3A_74 = tpu.memref_slice %arg4[%add3A_69] : memref<320000xi32, #tpu.memory_space<hbm>> -> memref<80xi32, #tpu.memory_space<hbm>>
        %dma_start3A_75 = tpu.memref_slice %arg4[%add3A_69] : memref<320000xi32, #tpu.memory_space<hbm>> -> memref<80xi32, #tpu.memory_space<hbm>>
        tpu.enqueue_dma source(%dma_start3A_75 : memref<80xi32, #tpu.memory_space<hbm>>) target(%arg8 : memref<80xi32, #tpu.memory_space<vmem>>) target_semaphore(%run_scoped3A : memref<!tpu.dma_semaphore, #tpu.memory_space<semaphore_mem>>)
        %dma_wait3A_76 = tpu.memref_slice %arg4[%add3A_69] : memref<320000xi32, #tpu.memory_space<hbm>> -> memref<80xi32, #tpu.memory_space<hbm>>
        %dma_wait3A_77 = tpu.memref_slice %arg4[%add3A_69] : memref<320000xi32, #tpu.memory_space<hbm>> -> memref<80xi32, #tpu.memory_space<hbm>>
        tpu.wait_dma2 semaphore(%run_scoped3A : memref<!tpu.dma_semaphore, #tpu.memory_space<semaphore_mem>>) src(%dma_wait3A_77 : memref<80xi32, #tpu.memory_space<hbm>>) dst(%arg8 : memref<80xi32, #tpu.memory_space<vmem>>)
        tpu.yield
      }) : () -> ()
      "tpu.region"() ({
        %run_scoped3A = tpu.sem_alloc : memref<!tpu.dma_semaphore, #tpu.memory_space<semaphore_mem>>
        %dma_start3A_74 = tpu.memref_slice %arg3[%add3A_69] : memref<320000xi32, #tpu.memory_space<hbm>> -> memref<80xi32, #tpu.memory_space<hbm>>
        %dma_start3A_75 = tpu.memref_slice %arg3[%add3A_69] : memref<320000xi32, #tpu.memory_space<hbm>> -> memref<80xi32, #tpu.memory_space<hbm>>
        tpu.enqueue_dma source(%dma_start3A_75 : memref<80xi32, #tpu.memory_space<hbm>>) target(%arg7 : memref<80xi32, #tpu.memory_space<vmem>>) target_semaphore(%run_scoped3A : memref<!tpu.dma_semaphore, #tpu.memory_space<semaphore_mem>>)
        %dma_wait3A_76 = tpu.memref_slice %arg3[%add3A_69] : memref<320000xi32, #tpu.memory_space<hbm>> -> memref<80xi32, #tpu.memory_space<hbm>>
        %dma_wait3A_77 = tpu.memref_slice %arg3[%add3A_69] : memref<320000xi32, #tpu.memory_space<hbm>> -> memref<80xi32, #tpu.memory_space<hbm>>
        tpu.wait_dma2 semaphore(%run_scoped3A : memref<!tpu.dma_semaphore, #tpu.memory_space<semaphore_mem>>) src(%dma_wait3A_77 : memref<80xi32, #tpu.memory_space<hbm>>) dst(%arg7 : memref<80xi32, #tpu.memory_space<vmem>>)
        tpu.yield
      }) : () -> ()
      %dma_start3A = arith.constant 0 : i32
      %dma_start3A_70 = arith.constant 0 : i32
      %dma_start3A_71 = tpu.memref_slice %arg2[%dma_start3A, %dma_start3A_70] : memref<10000x128xf32, #tpu.memory_space<hbm>> -> memref<10000x128xf32, #tpu.memory_space<hbm>>
      tpu.enqueue_indirect_dma source(%dma_start3A_71 : memref<10000x128xf32, #tpu.memory_space<hbm>>) target(%arg10 : memref<80x128xf32, #tpu.memory_space<vmem>>) offsets(%arg8 : memref<80xi32, #tpu.memory_space<vmem>>) semaphore(%arg12 : memref<!tpu.dma_semaphore, #tpu.memory_space<semaphore_mem>>)
      %dma_wait3A = arith.constant 0 : i32
      %dma_wait3A_72 = arith.constant 0 : i32
      %dma_wait3A_73 = tpu.memref_slice %arg2[%dma_wait3A, %dma_wait3A_72] : memref<10000x128xf32, #tpu.memory_space<hbm>> -> memref<10000x128xf32, #tpu.memory_space<hbm>>
      tpu.wait_indirect_dma semaphore(%arg12 : memref<!tpu.dma_semaphore, #tpu.memory_space<semaphore_mem>>) src(%dma_wait3A_73 : memref<10000x128xf32, #tpu.memory_space<hbm>>) dst(%arg10 : memref<80x128xf32, #tpu.memory_space<vmem>>)
      "tpu.region"() ({
        %run_scoped3A = tpu.sem_alloc : memref<!tpu.dma_semaphore, #tpu.memory_space<semaphore_mem>>
        %dma_start3A_74 = arith.constant 0 : i32
        %dma_start3A_75 = arith.constant 0 : i32
        %dma_start3A_76 = tpu.memref_slice %arg11[%dma_start3A_74, %dma_start3A_75] : memref<10240x128xf32, #tpu.memory_space<vmem_shared>> -> memref<10240x128xf32, #tpu.memory_space<vmem_shared>>
        tpu.enqueue_indirect_dma source(%arg10 : memref<80x128xf32, #tpu.memory_space<vmem>>) target(%dma_start3A_76 : memref<10240x128xf32, #tpu.memory_space<vmem_shared>>) offsets(%arg7 : memref<80xi32, #tpu.memory_space<vmem>>) semaphore(%run_scoped3A : memref<!tpu.dma_semaphore, #tpu.memory_space<semaphore_mem>>) {add = true}
        %dma_wait3A_77 = arith.constant 0 : i32
        %dma_wait3A_78 = arith.constant 0 : i32
        %dma_wait3A_79 = tpu.memref_slice %arg11[%dma_wait3A_77, %dma_wait3A_78] : memref<10240x128xf32, #tpu.memory_space<vmem_shared>> -> memref<10240x128xf32, #tpu.memory_space<vmem_shared>>
        tpu.wait_indirect_dma semaphore(%run_scoped3A : memref<!tpu.dma_semaphore, #tpu.memory_space<semaphore_mem>>) src(%arg10 : memref<80x128xf32, #tpu.memory_space<vmem>>) dst(%dma_wait3A_79 : memref<10240x128xf32, #tpu.memory_space<vmem_shared>>)
        tpu.yield
      }) : () -> ()
    }
    %scan3A_22 = arith.constant 125 : i32
    %barrier3A_23 = arith.constant 0 : index
    tpu.barrier barrier_id(%barrier3A_23)
    %scan3A_24 = arith.constant 0 : i32
    %scan3A_25 = arith.constant 0 : i32
    %scan3A_26 = arith.constant 8 : i32
    %scan3A_27 = arith.addi %scan3A_25, %scan3A_26 : i32
    %scan3A_28 = arith.constant 1 : i32
    scf.for %scan3A_66 = %scan3A_25 to %scan3A_27 step %scan3A_28  : i32 {
      %mul3A_67 = arith.constant 80 : i32
      %mul3A_68 = arith.muli %scan3A_66, %mul3A_67 : i32
      %add3A_69 = arith.addi %mul3A_2, %mul3A_68 : i32
      %iota3A = tpu.iota {dimensions = array<i32: 0>} : vector<16xi32>
      %add3A_70 = arith.constant 0 : i32
      %add3A_71 = arith.addi %add3A_69, %add3A_70 : i32
      %add3A_72 = vector.broadcast %add3A_71 : i32 to vector<16xi32>
      %add3A_73 = arith.addi %iota3A, %add3A_72 : vector<16xi32>
      %swap3A = arith.constant 0 : index
      %swap3A_74 = tpu.vector_load %arg9[%swap3A] {strides = array<i32>} : memref<80xi32, #tpu.memory_space<vmem>>, vector<16xi32>,
      %swap3A_75 = vector.shape_cast %swap3A_74 : vector<16xi32> to vector<16xi32>
      %swap3A_76 = vector.shape_cast %add3A_73 : vector<16xi32> to vector<16xi32>
      tpu.vector_store %arg9[%swap3A], %swap3A_76 {strides = array<i32>} : memref<80xi32, #tpu.memory_space<vmem>>, vector<16xi32>,
      %add3A_77 = arith.constant 16 : i32
      %add3A_78 = arith.addi %add3A_69, %add3A_77 : i32
      %add3A_79 = vector.broadcast %add3A_78 : i32 to vector<16xi32>
      %add3A_80 = arith.addi %iota3A, %add3A_79 : vector<16xi32>
      %swap3A_81 = arith.constant 16 : index
      %swap3A_82 = tpu.vector_load %arg9[%swap3A_81] {strides = array<i32>} : memref<80xi32, #tpu.memory_space<vmem>>, vector<16xi32>,
      %swap3A_83 = vector.shape_cast %swap3A_82 : vector<16xi32> to vector<16xi32>
      %swap3A_84 = vector.shape_cast %add3A_80 : vector<16xi32> to vector<16xi32>
      tpu.vector_store %arg9[%swap3A_81], %swap3A_84 {strides = array<i32>} : memref<80xi32, #tpu.memory_space<vmem>>, vector<16xi32>,
      %add3A_85 = arith.constant 32 : i32
      %add3A_86 = arith.addi %add3A_69, %add3A_85 : i32
      %add3A_87 = vector.broadcast %add3A_86 : i32 to vector<16xi32>
      %add3A_88 = arith.addi %iota3A, %add3A_87 : vector<16xi32>
      %swap3A_89 = arith.constant 32 : index
      %swap3A_90 = tpu.vector_load %arg9[%swap3A_89] {strides = array<i32>} : memref<80xi32, #tpu.memory_space<vmem>>, vector<16xi32>,
      %swap3A_91 = vector.shape_cast %swap3A_90 : vector<16xi32> to vector<16xi32>
      %swap3A_92 = vector.shape_cast %add3A_88 : vector<16xi32> to vector<16xi32>
      tpu.vector_store %arg9[%swap3A_89], %swap3A_92 {strides = array<i32>} : memref<80xi32, #tpu.memory_space<vmem>>, vector<16xi32>,
      %add3A_93 = arith.constant 48 : i32
      %add3A_94 = arith.addi %add3A_69, %add3A_93 : i32
      %add3A_95 = vector.broadcast %add3A_94 : i32 to vector<16xi32>
      %add3A_96 = arith.addi %iota3A, %add3A_95 : vector<16xi32>
      %swap3A_97 = arith.constant 48 : index
      %swap3A_98 = tpu.vector_load %arg9[%swap3A_97] {strides = array<i32>} : memref<80xi32, #tpu.memory_space<vmem>>, vector<16xi32>,
      %swap3A_99 = vector.shape_cast %swap3A_98 : vector<16xi32> to vector<16xi32>
      %swap3A_100 = vector.shape_cast %add3A_96 : vector<16xi32> to vector<16xi32>
      tpu.vector_store %arg9[%swap3A_97], %swap3A_100 {strides = array<i32>} : memref<80xi32, #tpu.memory_space<vmem>>, vector<16xi32>,
      %add3A_101 = arith.constant 64 : i32
      %add3A_102 = arith.addi %add3A_69, %add3A_101 : i32
      %add3A_103 = vector.broadcast %add3A_102 : i32 to vector<16xi32>
      %add3A_104 = arith.addi %iota3A, %add3A_103 : vector<16xi32>
      %swap3A_105 = arith.constant 64 : index
      %swap3A_106 = tpu.vector_load %arg9[%swap3A_105] {strides = array<i32>} : memref<80xi32, #tpu.memory_space<vmem>>, vector<16xi32>,
      %swap3A_107 = vector.shape_cast %swap3A_106 : vector<16xi32> to vector<16xi32>
      %swap3A_108 = vector.shape_cast %add3A_104 : vector<16xi32> to vector<16xi32>
      tpu.vector_store %arg9[%swap3A_105], %swap3A_108 {strides = array<i32>} : memref<80xi32, #tpu.memory_space<vmem>>, vector<16xi32>,
      %dma_start3A = arith.constant 0 : i32
      %dma_start3A_109 = arith.constant 0 : i32
      %dma_start3A_110 = tpu.memref_slice %arg11[%dma_start3A, %dma_start3A_109] : memref<10240x128xf32, #tpu.memory_space<vmem_shared>> -> memref<10240x128xf32, #tpu.memory_space<vmem_shared>>
      tpu.enqueue_indirect_dma source(%dma_start3A_110 : memref<10240x128xf32, #tpu.memory_space<vmem_shared>>) target(%arg10 : memref<80x128xf32, #tpu.memory_space<vmem>>) offsets(%arg9 : memref<80xi32, #tpu.memory_space<vmem>>) semaphore(%arg12 : memref<!tpu.dma_semaphore, #tpu.memory_space<semaphore_mem>>)
      %dma_wait3A = arith.constant 0 : i32
      %dma_wait3A_111 = arith.constant 0 : i32
      %dma_wait3A_112 = tpu.memref_slice %arg11[%dma_wait3A, %dma_wait3A_111] : memref<10240x128xf32, #tpu.memory_space<vmem_shared>> -> memref<10240x128xf32, #tpu.memory_space<vmem_shared>>
      tpu.wait_indirect_dma semaphore(%arg12 : memref<!tpu.dma_semaphore, #tpu.memory_space<semaphore_mem>>) src(%dma_wait3A_112 : memref<10240x128xf32, #tpu.memory_space<vmem_shared>>) dst(%arg10 : memref<80x128xf32, #tpu.memory_space<vmem>>)
      %mul3A_113 = arith.constant 80 : i32
      %mul3A_114 = arith.muli %scan3A_66, %mul3A_113 : i32
      %add3A_115 = arith.addi %mul3A_2, %mul3A_114 : i32
      "tpu.region"() ({
        %run_scoped3A = tpu.sem_alloc : memref<!tpu.dma_semaphore, #tpu.memory_space<semaphore_mem>>
        %dma_start3A_116 = arith.constant 0 : i32
        %dma_start3A_117 = tpu.memref_slice %arg5[%arg0, %add3A_115, %dma_start3A_116] : memref<2x10240x128xf32, #tpu.memory_space<hbm>> -> memref<1x80x128xf32, #tpu.memory_space<hbm>>
        %dma_start3A_118 = tpu.memref_squeeze %dma_start3A_117 : memref<1x80x128xf32, #tpu.memory_space<hbm>> -> memref<80x128xf32, #tpu.memory_space<hbm>>
        %dma_start3A_119 = arith.constant 0 : i32
        %dma_start3A_120 = tpu.memref_slice %arg5[%arg0, %add3A_115, %dma_start3A_119] : memref<2x10240x128xf32, #tpu.memory_space<hbm>> -> memref<1x80x128xf32, #tpu.memory_space<hbm>>
        %dma_start3A_121 = tpu.memref_squeeze %dma_start3A_120 : memref<1x80x128xf32, #tpu.memory_space<hbm>> -> memref<80x128xf32, #tpu.memory_space<hbm>>
        tpu.enqueue_dma source(%arg10 : memref<80x128xf32, #tpu.memory_space<vmem>>) target(%dma_start3A_121 : memref<80x128xf32, #tpu.memory_space<hbm>>) target_semaphore(%run_scoped3A : memref<!tpu.dma_semaphore, #tpu.memory_space<semaphore_mem>>)
        %dma_wait3A_122 = arith.constant 0 : i32
        %dma_wait3A_123 = tpu.memref_slice %arg5[%arg0, %add3A_115, %dma_wait3A_122] : memref<2x10240x128xf32, #tpu.memory_space<hbm>> -> memref<1x80x128xf32, #tpu.memory_space<hbm>>
        %dma_wait3A_124 = tpu.memref_squeeze %dma_wait3A_123 : memref<1x80x128xf32, #tpu.memory_space<hbm>> -> memref<80x128xf32, #tpu.memory_space<hbm>>
        %dma_wait3A_125 = arith.constant 0 : i32
        %dma_wait3A_126 = tpu.memref_slice %arg5[%arg0, %add3A_115, %dma_wait3A_125] : memref<2x10240x128xf32, #tpu.memory_space<hbm>> -> memref<1x80x128xf32, #tpu.memory_space<hbm>>
        %dma_wait3A_127 = tpu.memref_squeeze %dma_wait3A_126 : memref<1x80x128xf32, #tpu.memory_space<hbm>> -> memref<80x128xf32, #tpu.memory_space<hbm>>
        tpu.wait_dma2 semaphore(%run_scoped3A : memref<!tpu.dma_semaphore, #tpu.memory_space<semaphore_mem>>) src(%arg10 : memref<80x128xf32, #tpu.memory_space<vmem>>) dst(%dma_wait3A_127 : memref<80x128xf32, #tpu.memory_space<hbm>>)
        tpu.yield
      }) : () -> ()
    }
    %scan3A_29 = arith.constant 8 : i32
    %broadcast_in_dim3A_30 = arith.constant 0.000000e+00 : f32
    %broadcast_in_dim3A_31 = vector.broadcast %broadcast_in_dim3A_30 : f32 to vector<16xf32>
    %scan3A_32 = arith.constant 0 : i32
    %scan3A_33 = arith.constant 0 : i32
    %scan3A_34 = arith.constant 80 : i32
    %scan3A_35 = arith.addi %scan3A_33, %scan3A_34 : i32
    %scan3A_36 = arith.constant 1 : i32
    scf.for %scan3A_66 = %scan3A_33 to %scan3A_35 step %scan3A_36  : i32 {
      %swap3A = arith.index_cast %scan3A_66 : i32 to index
      %swap3A_67 = arith.constant 0 : index
      %swap3A_68 = tpu.vector_load %arg10[%swap3A, %swap3A_67] {strides = array<i32>} : memref<80x128xf32, #tpu.memory_space<vmem>>, vector<1x16xf32>,
      %swap3A_69 = vector.shape_cast %swap3A_68 : vector<1x16xf32> to vector<16xf32>
      %swap3A_70 = vector.shape_cast %broadcast_in_dim3A_31 : vector<16xf32> to vector<1x16xf32>
      tpu.vector_store %arg10[%swap3A, %swap3A_67], %swap3A_70 {strides = array<i32>} : memref<80x128xf32, #tpu.memory_space<vmem>>, vector<1x16xf32>,
      %swap3A_71 = arith.index_cast %scan3A_66 : i32 to index
      %swap3A_72 = arith.constant 16 : index
      %swap3A_73 = tpu.vector_load %arg10[%swap3A_71, %swap3A_72] {strides = array<i32>} : memref<80x128xf32, #tpu.memory_space<vmem>>, vector<1x16xf32>,
      %swap3A_74 = vector.shape_cast %swap3A_73 : vector<1x16xf32> to vector<16xf32>
      %swap3A_75 = vector.shape_cast %broadcast_in_dim3A_31 : vector<16xf32> to vector<1x16xf32>
      tpu.vector_store %arg10[%swap3A_71, %swap3A_72], %swap3A_75 {strides = array<i32>} : memref<80x128xf32, #tpu.memory_space<vmem>>, vector<1x16xf32>,
      %swap3A_76 = arith.index_cast %scan3A_66 : i32 to index
      %swap3A_77 = arith.constant 32 : index
      %swap3A_78 = tpu.vector_load %arg10[%swap3A_76, %swap3A_77] {strides = array<i32>} : memref<80x128xf32, #tpu.memory_space<vmem>>, vector<1x16xf32>,
      %swap3A_79 = vector.shape_cast %swap3A_78 : vector<1x16xf32> to vector<16xf32>
      %swap3A_80 = vector.shape_cast %broadcast_in_dim3A_31 : vector<16xf32> to vector<1x16xf32>
      tpu.vector_store %arg10[%swap3A_76, %swap3A_77], %swap3A_80 {strides = array<i32>} : memref<80x128xf32, #tpu.memory_space<vmem>>, vector<1x16xf32>,
      %swap3A_81 = arith.index_cast %scan3A_66 : i32 to index
      %swap3A_82 = arith.constant 48 : index
      %swap3A_83 = tpu.vector_load %arg10[%swap3A_81, %swap3A_82] {strides = array<i32>} : memref<80x128xf32, #tpu.memory_space<vmem>>, vector<1x16xf32>,
      %swap3A_84 = vector.shape_cast %swap3A_83 : vector<1x16xf32> to vector<16xf32>
      %swap3A_85 = vector.shape_cast %broadcast_in_dim3A_31 : vector<16xf32> to vector<1x16xf32>
      tpu.vector_store %arg10[%swap3A_81, %swap3A_82], %swap3A_85 {strides = array<i32>} : memref<80x128xf32, #tpu.memory_space<vmem>>, vector<1x16xf32>,
      %swap3A_86 = arith.index_cast %scan3A_66 : i32 to index
      %swap3A_87 = arith.constant 64 : index
      %swap3A_88 = tpu.vector_load %arg10[%swap3A_86, %swap3A_87] {strides = array<i32>} : memref<80x128xf32, #tpu.memory_space<vmem>>, vector<1x16xf32>,
      %swap3A_89 = vector.shape_cast %swap3A_88 : vector<1x16xf32> to vector<16xf32>
      %swap3A_90 = vector.shape_cast %broadcast_in_dim3A_31 : vector<16xf32> to vector<1x16xf32>
      tpu.vector_store %arg10[%swap3A_86, %swap3A_87], %swap3A_90 {strides = array<i32>} : memref<80x128xf32, #tpu.memory_space<vmem>>, vector<1x16xf32>,
      %swap3A_91 = arith.index_cast %scan3A_66 : i32 to index
      %swap3A_92 = arith.constant 80 : index
      %swap3A_93 = tpu.vector_load %arg10[%swap3A_91, %swap3A_92] {strides = array<i32>} : memref<80x128xf32, #tpu.memory_space<vmem>>, vector<1x16xf32>,
      %swap3A_94 = vector.shape_cast %swap3A_93 : vector<1x16xf32> to vector<16xf32>
      %swap3A_95 = vector.shape_cast %broadcast_in_dim3A_31 : vector<16xf32> to vector<1x16xf32>
      tpu.vector_store %arg10[%swap3A_91, %swap3A_92], %swap3A_95 {strides = array<i32>} : memref<80x128xf32, #tpu.memory_space<vmem>>, vector<1x16xf32>,
      %swap3A_96 = arith.index_cast %scan3A_66 : i32 to index
      %swap3A_97 = arith.constant 96 : index
      %swap3A_98 = tpu.vector_load %arg10[%swap3A_96, %swap3A_97] {strides = array<i32>} : memref<80x128xf32, #tpu.memory_space<vmem>>, vector<1x16xf32>,
      %swap3A_99 = vector.shape_cast %swap3A_98 : vector<1x16xf32> to vector<16xf32>
      %swap3A_100 = vector.shape_cast %broadcast_in_dim3A_31 : vector<16xf32> to vector<1x16xf32>
      tpu.vector_store %arg10[%swap3A_96, %swap3A_97], %swap3A_100 {strides = array<i32>} : memref<80x128xf32, #tpu.memory_space<vmem>>, vector<1x16xf32>,
      %swap3A_101 = arith.index_cast %scan3A_66 : i32 to index
      %swap3A_102 = arith.constant 112 : index
      %swap3A_103 = tpu.vector_load %arg10[%swap3A_101, %swap3A_102] {strides = array<i32>} : memref<80x128xf32, #tpu.memory_space<vmem>>, vector<1x16xf32>,
      %swap3A_104 = vector.shape_cast %swap3A_103 : vector<1x16xf32> to vector<16xf32>
      %swap3A_105 = vector.shape_cast %broadcast_in_dim3A_31 : vector<16xf32> to vector<1x16xf32>
      tpu.vector_store %arg10[%swap3A_101, %swap3A_102], %swap3A_105 {strides = array<i32>} : memref<80x128xf32, #tpu.memory_space<vmem>>, vector<1x16xf32>,
    }
    %scan3A_37 = arith.constant 80 : i32
    %scan3A_38 = arith.constant 0 : i32
    %scan3A_39 = arith.constant 0 : i32
    %scan3A_40 = arith.constant 8 : i32
    %scan3A_41 = arith.addi %scan3A_39, %scan3A_40 : i32
    %scan3A_42 = arith.constant 1 : i32
    scf.for %scan3A_66 = %scan3A_39 to %scan3A_41 step %scan3A_42  : i32 {
      %mul3A_67 = arith.constant 80 : i32
      %mul3A_68 = arith.muli %scan3A_66, %mul3A_67 : i32
      %add3A_69 = arith.addi %mul3A_2, %mul3A_68 : i32
      %iota3A = tpu.iota {dimensions = array<i32: 0>} : vector<16xi32>
      %add3A_70 = arith.constant 0 : i32
      %add3A_71 = arith.addi %add3A_69, %add3A_70 : i32
      %add3A_72 = vector.broadcast %add3A_71 : i32 to vector<16xi32>
      %add3A_73 = arith.addi %iota3A, %add3A_72 : vector<16xi32>
      %swap3A = arith.constant 0 : index
      %swap3A_74 = tpu.vector_load %arg9[%swap3A] {strides = array<i32>} : memref<80xi32, #tpu.memory_space<vmem>>, vector<16xi32>,
      %swap3A_75 = vector.shape_cast %swap3A_74 : vector<16xi32> to vector<16xi32>
      %swap3A_76 = vector.shape_cast %add3A_73 : vector<16xi32> to vector<16xi32>
      tpu.vector_store %arg9[%swap3A], %swap3A_76 {strides = array<i32>} : memref<80xi32, #tpu.memory_space<vmem>>, vector<16xi32>,
      %add3A_77 = arith.constant 16 : i32
      %add3A_78 = arith.addi %add3A_69, %add3A_77 : i32
      %add3A_79 = vector.broadcast %add3A_78 : i32 to vector<16xi32>
      %add3A_80 = arith.addi %iota3A, %add3A_79 : vector<16xi32>
      %swap3A_81 = arith.constant 16 : index
      %swap3A_82 = tpu.vector_load %arg9[%swap3A_81] {strides = array<i32>} : memref<80xi32, #tpu.memory_space<vmem>>, vector<16xi32>,
      %swap3A_83 = vector.shape_cast %swap3A_82 : vector<16xi32> to vector<16xi32>
      %swap3A_84 = vector.shape_cast %add3A_80 : vector<16xi32> to vector<16xi32>
      tpu.vector_store %arg9[%swap3A_81], %swap3A_84 {strides = array<i32>} : memref<80xi32, #tpu.memory_space<vmem>>, vector<16xi32>,
      %add3A_85 = arith.constant 32 : i32
      %add3A_86 = arith.addi %add3A_69, %add3A_85 : i32
      %add3A_87 = vector.broadcast %add3A_86 : i32 to vector<16xi32>
      %add3A_88 = arith.addi %iota3A, %add3A_87 : vector<16xi32>
      %swap3A_89 = arith.constant 32 : index
      %swap3A_90 = tpu.vector_load %arg9[%swap3A_89] {strides = array<i32>} : memref<80xi32, #tpu.memory_space<vmem>>, vector<16xi32>,
      %swap3A_91 = vector.shape_cast %swap3A_90 : vector<16xi32> to vector<16xi32>
      %swap3A_92 = vector.shape_cast %add3A_88 : vector<16xi32> to vector<16xi32>
      tpu.vector_store %arg9[%swap3A_89], %swap3A_92 {strides = array<i32>} : memref<80xi32, #tpu.memory_space<vmem>>, vector<16xi32>,
      %add3A_93 = arith.constant 48 : i32
      %add3A_94 = arith.addi %add3A_69, %add3A_93 : i32
      %add3A_95 = vector.broadcast %add3A_94 : i32 to vector<16xi32>
      %add3A_96 = arith.addi %iota3A, %add3A_95 : vector<16xi32>
      %swap3A_97 = arith.constant 48 : index
      %swap3A_98 = tpu.vector_load %arg9[%swap3A_97] {strides = array<i32>} : memref<80xi32, #tpu.memory_space<vmem>>, vector<16xi32>,
      %swap3A_99 = vector.shape_cast %swap3A_98 : vector<16xi32> to vector<16xi32>
      %swap3A_100 = vector.shape_cast %add3A_96 : vector<16xi32> to vector<16xi32>
      tpu.vector_store %arg9[%swap3A_97], %swap3A_100 {strides = array<i32>} : memref<80xi32, #tpu.memory_space<vmem>>, vector<16xi32>,
      %add3A_101 = arith.constant 64 : i32
      %add3A_102 = arith.addi %add3A_69, %add3A_101 : i32
      %add3A_103 = vector.broadcast %add3A_102 : i32 to vector<16xi32>
      %add3A_104 = arith.addi %iota3A, %add3A_103 : vector<16xi32>
      %swap3A_105 = arith.constant 64 : index
      %swap3A_106 = tpu.vector_load %arg9[%swap3A_105] {strides = array<i32>} : memref<80xi32, #tpu.memory_space<vmem>>, vector<16xi32>,
      %swap3A_107 = vector.shape_cast %swap3A_106 : vector<16xi32> to vector<16xi32>
      %swap3A_108 = vector.shape_cast %add3A_104 : vector<16xi32> to vector<16xi32>
      tpu.vector_store %arg9[%swap3A_105], %swap3A_108 {strides = array<i32>} : memref<80xi32, #tpu.memory_space<vmem>>, vector<16xi32>,
      "tpu.region"() ({
        %run_scoped3A = tpu.sem_alloc : memref<!tpu.dma_semaphore, #tpu.memory_space<semaphore_mem>>
        %dma_start3A = arith.constant 0 : i32
        %dma_start3A_109 = arith.constant 0 : i32
        %dma_start3A_110 = tpu.memref_slice %arg11[%dma_start3A, %dma_start3A_109] : memref<10240x128xf32, #tpu.memory_space<vmem_shared>> -> memref<10240x128xf32, #tpu.memory_space<vmem_shared>>
        tpu.enqueue_indirect_dma source(%arg10 : memref<80x128xf32, #tpu.memory_space<vmem>>) target(%dma_start3A_110 : memref<10240x128xf32, #tpu.memory_space<vmem_shared>>) offsets(%arg9 : memref<80xi32, #tpu.memory_space<vmem>>) semaphore(%run_scoped3A : memref<!tpu.dma_semaphore, #tpu.memory_space<semaphore_mem>>)
        %dma_wait3A = arith.constant 0 : i32
        %dma_wait3A_111 = arith.constant 0 : i32
        %dma_wait3A_112 = tpu.memref_slice %arg11[%dma_wait3A, %dma_wait3A_111] : memref<10240x128xf32, #tpu.memory_space<vmem_shared>> -> memref<10240x128xf32, #tpu.memory_space<vmem_shared>>
        tpu.wait_indirect_dma semaphore(%run_scoped3A : memref<!tpu.dma_semaphore, #tpu.memory_space<semaphore_mem>>) src(%arg10 : memref<80x128xf32, #tpu.memory_space<vmem>>) dst(%dma_wait3A_112 : memref<10240x128xf32, #tpu.memory_space<vmem_shared>>)
        tpu.yield
      }) : () -> ()
    }
    %scan3A_43 = arith.constant 8 : i32
    %broadcast_in_dim3A_44 = arith.constant 1.000000e+00 : f32
    %broadcast_in_dim3A_45 = vector.broadcast %broadcast_in_dim3A_44 : f32 to vector<16xf32>
    %scan3A_46 = arith.constant 0 : i32
    %scan3A_47 = arith.constant 0 : i32
    %scan3A_48 = arith.constant 80 : i32
    %scan3A_49 = arith.addi %scan3A_47, %scan3A_48 : i32
    %scan3A_50 = arith.constant 1 : i32
    scf.for %scan3A_66 = %scan3A_47 to %scan3A_49 step %scan3A_50  : i32 {
      %swap3A = arith.index_cast %scan3A_66 : i32 to index
      %swap3A_67 = arith.constant 0 : index
      %swap3A_68 = tpu.vector_load %arg10[%swap3A, %swap3A_67] {strides = array<i32>} : memref<80x128xf32, #tpu.memory_space<vmem>>, vector<1x16xf32>,
      %swap3A_69 = vector.shape_cast %swap3A_68 : vector<1x16xf32> to vector<16xf32>
      %swap3A_70 = vector.shape_cast %broadcast_in_dim3A_45 : vector<16xf32> to vector<1x16xf32>
      tpu.vector_store %arg10[%swap3A, %swap3A_67], %swap3A_70 {strides = array<i32>} : memref<80x128xf32, #tpu.memory_space<vmem>>, vector<1x16xf32>,
      %swap3A_71 = arith.index_cast %scan3A_66 : i32 to index
      %swap3A_72 = arith.constant 16 : index
      %swap3A_73 = tpu.vector_load %arg10[%swap3A_71, %swap3A_72] {strides = array<i32>} : memref<80x128xf32, #tpu.memory_space<vmem>>, vector<1x16xf32>,
      %swap3A_74 = vector.shape_cast %swap3A_73 : vector<1x16xf32> to vector<16xf32>
      %swap3A_75 = vector.shape_cast %broadcast_in_dim3A_45 : vector<16xf32> to vector<1x16xf32>
      tpu.vector_store %arg10[%swap3A_71, %swap3A_72], %swap3A_75 {strides = array<i32>} : memref<80x128xf32, #tpu.memory_space<vmem>>, vector<1x16xf32>,
      %swap3A_76 = arith.index_cast %scan3A_66 : i32 to index
      %swap3A_77 = arith.constant 32 : index
      %swap3A_78 = tpu.vector_load %arg10[%swap3A_76, %swap3A_77] {strides = array<i32>} : memref<80x128xf32, #tpu.memory_space<vmem>>, vector<1x16xf32>,
      %swap3A_79 = vector.shape_cast %swap3A_78 : vector<1x16xf32> to vector<16xf32>
      %swap3A_80 = vector.shape_cast %broadcast_in_dim3A_45 : vector<16xf32> to vector<1x16xf32>
      tpu.vector_store %arg10[%swap3A_76, %swap3A_77], %swap3A_80 {strides = array<i32>} : memref<80x128xf32, #tpu.memory_space<vmem>>, vector<1x16xf32>,
      %swap3A_81 = arith.index_cast %scan3A_66 : i32 to index
      %swap3A_82 = arith.constant 48 : index
      %swap3A_83 = tpu.vector_load %arg10[%swap3A_81, %swap3A_82] {strides = array<i32>} : memref<80x128xf32, #tpu.memory_space<vmem>>, vector<1x16xf32>,
      %swap3A_84 = vector.shape_cast %swap3A_83 : vector<1x16xf32> to vector<16xf32>
      %swap3A_85 = vector.shape_cast %broadcast_in_dim3A_45 : vector<16xf32> to vector<1x16xf32>
      tpu.vector_store %arg10[%swap3A_81, %swap3A_82], %swap3A_85 {strides = array<i32>} : memref<80x128xf32, #tpu.memory_space<vmem>>, vector<1x16xf32>,
      %swap3A_86 = arith.index_cast %scan3A_66 : i32 to index
      %swap3A_87 = arith.constant 64 : index
      %swap3A_88 = tpu.vector_load %arg10[%swap3A_86, %swap3A_87] {strides = array<i32>} : memref<80x128xf32, #tpu.memory_space<vmem>>, vector<1x16xf32>,
      %swap3A_89 = vector.shape_cast %swap3A_88 : vector<1x16xf32> to vector<16xf32>
      %swap3A_90 = vector.shape_cast %broadcast_in_dim3A_45 : vector<16xf32> to vector<1x16xf32>
      tpu.vector_store %arg10[%swap3A_86, %swap3A_87], %swap3A_90 {strides = array<i32>} : memref<80x128xf32, #tpu.memory_space<vmem>>, vector<1x16xf32>,
      %swap3A_91 = arith.index_cast %scan3A_66 : i32 to index
      %swap3A_92 = arith.constant 80 : index
      %swap3A_93 = tpu.vector_load %arg10[%swap3A_91, %swap3A_92] {strides = array<i32>} : memref<80x128xf32, #tpu.memory_space<vmem>>, vector<1x16xf32>,
      %swap3A_94 = vector.shape_cast %swap3A_93 : vector<1x16xf32> to vector<16xf32>
      %swap3A_95 = vector.shape_cast %broadcast_in_dim3A_45 : vector<16xf32> to vector<1x16xf32>
      tpu.vector_store %arg10[%swap3A_91, %swap3A_92], %swap3A_95 {strides = array<i32>} : memref<80x128xf32, #tpu.memory_space<vmem>>, vector<1x16xf32>,
      %swap3A_96 = arith.index_cast %scan3A_66 : i32 to index
      %swap3A_97 = arith.constant 96 : index
      %swap3A_98 = tpu.vector_load %arg10[%swap3A_96, %swap3A_97] {strides = array<i32>} : memref<80x128xf32, #tpu.memory_space<vmem>>, vector<1x16xf32>,
      %swap3A_99 = vector.shape_cast %swap3A_98 : vector<1x16xf32> to vector<16xf32>
      %swap3A_100 = vector.shape_cast %broadcast_in_dim3A_45 : vector<16xf32> to vector<1x16xf32>
      tpu.vector_store %arg10[%swap3A_96, %swap3A_97], %swap3A_100 {strides = array<i32>} : memref<80x128xf32, #tpu.memory_space<vmem>>, vector<1x16xf32>,
      %swap3A_101 = arith.index_cast %scan3A_66 : i32 to index
      %swap3A_102 = arith.constant 112 : index
      %swap3A_103 = tpu.vector_load %arg10[%swap3A_101, %swap3A_102] {strides = array<i32>} : memref<80x128xf32, #tpu.memory_space<vmem>>, vector<1x16xf32>,
      %swap3A_104 = vector.shape_cast %swap3A_103 : vector<1x16xf32> to vector<16xf32>
      %swap3A_105 = vector.shape_cast %broadcast_in_dim3A_45 : vector<16xf32> to vector<1x16xf32>
      tpu.vector_store %arg10[%swap3A_101, %swap3A_102], %swap3A_105 {strides = array<i32>} : memref<80x128xf32, #tpu.memory_space<vmem>>, vector<1x16xf32>,
    }
    %scan3A_51 = arith.constant 80 : i32
    %barrier3A_52 = arith.constant 0 : index
    tpu.barrier barrier_id(%barrier3A_52)
    %scan3A_53 = arith.constant 0 : i32
    %scan3A_54 = arith.constant 0 : i32
    %scan3A_55 = arith.constant 125 : i32
    %scan3A_56 = arith.addi %scan3A_54, %scan3A_55 : i32
    %scan3A_57 = arith.constant 1 : i32
    scf.for %scan3A_66 = %scan3A_54 to %scan3A_56 step %scan3A_57  : i32 {
      %mul3A_67 = arith.constant 80 : i32
      %mul3A_68 = arith.muli %scan3A_66, %mul3A_67 : i32
      %add3A_69 = arith.addi %mul3A_4, %mul3A_68 : i32
      "tpu.region"() ({
        %run_scoped3A = tpu.sem_alloc : memref<!tpu.dma_semaphore, #tpu.memory_space<semaphore_mem>>
        %dma_start3A = tpu.memref_slice %arg3[%add3A_69] : memref<320000xi32, #tpu.memory_space<hbm>> -> memref<80xi32, #tpu.memory_space<hbm>>
        %dma_start3A_70 = tpu.memref_slice %arg3[%add3A_69] : memref<320000xi32, #tpu.memory_space<hbm>> -> memref<80xi32, #tpu.memory_space<hbm>>
        tpu.enqueue_dma source(%dma_start3A_70 : memref<80xi32, #tpu.memory_space<hbm>>) target(%arg7 : memref<80xi32, #tpu.memory_space<vmem>>) target_semaphore(%run_scoped3A : memref<!tpu.dma_semaphore, #tpu.memory_space<semaphore_mem>>)
        %dma_wait3A = tpu.memref_slice %arg3[%add3A_69] : memref<320000xi32, #tpu.memory_space<hbm>> -> memref<80xi32, #tpu.memory_space<hbm>>
        %dma_wait3A_71 = tpu.memref_slice %arg3[%add3A_69] : memref<320000xi32, #tpu.memory_space<hbm>> -> memref<80xi32, #tpu.memory_space<hbm>>
        tpu.wait_dma2 semaphore(%run_scoped3A : memref<!tpu.dma_semaphore, #tpu.memory_space<semaphore_mem>>) src(%dma_wait3A_71 : memref<80xi32, #tpu.memory_space<hbm>>) dst(%arg7 : memref<80xi32, #tpu.memory_space<vmem>>)
        tpu.yield
      }) : () -> ()
      "tpu.region"() ({
        %run_scoped3A = tpu.sem_alloc : memref<!tpu.dma_semaphore, #tpu.memory_space<semaphore_mem>>
        %dma_start3A = arith.constant 0 : i32
        %dma_start3A_70 = arith.constant 0 : i32
        %dma_start3A_71 = tpu.memref_slice %arg11[%dma_start3A, %dma_start3A_70] : memref<10240x128xf32, #tpu.memory_space<vmem_shared>> -> memref<10240x128xf32, #tpu.memory_space<vmem_shared>>
        tpu.enqueue_indirect_dma source(%arg10 : memref<80x128xf32, #tpu.memory_space<vmem>>) target(%dma_start3A_71 : memref<10240x128xf32, #tpu.memory_space<vmem_shared>>) offsets(%arg7 : memref<80xi32, #tpu.memory_space<vmem>>) semaphore(%run_scoped3A : memref<!tpu.dma_semaphore, #tpu.memory_space<semaphore_mem>>) {add = true}
        %dma_wait3A = arith.constant 0 : i32
        %dma_wait3A_72 = arith.constant 0 : i32
        %dma_wait3A_73 = tpu.memref_slice %arg11[%dma_wait3A, %dma_wait3A_72] : memref<10240x128xf32, #tpu.memory_space<vmem_shared>> -> memref<10240x128xf32, #tpu.memory_space<vmem_shared>>
        tpu.wait_indirect_dma semaphore(%run_scoped3A : memref<!tpu.dma_semaphore, #tpu.memory_space<semaphore_mem>>) src(%arg10 : memref<80x128xf32, #tpu.memory_space<vmem>>) dst(%dma_wait3A_73 : memref<10240x128xf32, #tpu.memory_space<vmem_shared>>)
        tpu.yield
      }) : () -> ()
    }
    %scan3A_58 = arith.constant 125 : i32
    %barrier3A_59 = arith.constant 0 : index
    tpu.barrier barrier_id(%barrier3A_59)
    %scan3A_60 = arith.constant 0 : i32
    %scan3A_61 = arith.constant 0 : i32
    %scan3A_62 = arith.constant 8 : i32
    %scan3A_63 = arith.addi %scan3A_61, %scan3A_62 : i32
    %scan3A_64 = arith.constant 1 : i32
    scf.for %scan3A_66 = %scan3A_61 to %scan3A_63 step %scan3A_64  : i32 {
      %mul3A_67 = arith.constant 80 : i32
      %mul3A_68 = arith.muli %scan3A_66, %mul3A_67 : i32
      %add3A_69 = arith.addi %mul3A_2, %mul3A_68 : i32
      %iota3A = tpu.iota {dimensions = array<i32: 0>} : vector<16xi32>
      %add3A_70 = arith.constant 0 : i32
      %add3A_71 = arith.addi %add3A_69, %add3A_70 : i32
      %add3A_72 = vector.broadcast %add3A_71 : i32 to vector<16xi32>
      %add3A_73 = arith.addi %iota3A, %add3A_72 : vector<16xi32>
      %swap3A = arith.constant 0 : index
      %swap3A_74 = tpu.vector_load %arg9[%swap3A] {strides = array<i32>} : memref<80xi32, #tpu.memory_space<vmem>>, vector<16xi32>,
      %swap3A_75 = vector.shape_cast %swap3A_74 : vector<16xi32> to vector<16xi32>
      %swap3A_76 = vector.shape_cast %add3A_73 : vector<16xi32> to vector<16xi32>
      tpu.vector_store %arg9[%swap3A], %swap3A_76 {strides = array<i32>} : memref<80xi32, #tpu.memory_space<vmem>>, vector<16xi32>,
      %add3A_77 = arith.constant 16 : i32
      %add3A_78 = arith.addi %add3A_69, %add3A_77 : i32
      %add3A_79 = vector.broadcast %add3A_78 : i32 to vector<16xi32>
      %add3A_80 = arith.addi %iota3A, %add3A_79 : vector<16xi32>
      %swap3A_81 = arith.constant 16 : index
      %swap3A_82 = tpu.vector_load %arg9[%swap3A_81] {strides = array<i32>} : memref<80xi32, #tpu.memory_space<vmem>>, vector<16xi32>,
      %swap3A_83 = vector.shape_cast %swap3A_82 : vector<16xi32> to vector<16xi32>
      %swap3A_84 = vector.shape_cast %add3A_80 : vector<16xi32> to vector<16xi32>
      tpu.vector_store %arg9[%swap3A_81], %swap3A_84 {strides = array<i32>} : memref<80xi32, #tpu.memory_space<vmem>>, vector<16xi32>,
      %add3A_85 = arith.constant 32 : i32
      %add3A_86 = arith.addi %add3A_69, %add3A_85 : i32
      %add3A_87 = vector.broadcast %add3A_86 : i32 to vector<16xi32>
      %add3A_88 = arith.addi %iota3A, %add3A_87 : vector<16xi32>
      %swap3A_89 = arith.constant 32 : index
      %swap3A_90 = tpu.vector_load %arg9[%swap3A_89] {strides = array<i32>} : memref<80xi32, #tpu.memory_space<vmem>>, vector<16xi32>,
      %swap3A_91 = vector.shape_cast %swap3A_90 : vector<16xi32> to vector<16xi32>
      %swap3A_92 = vector.shape_cast %add3A_88 : vector<16xi32> to vector<16xi32>
      tpu.vector_store %arg9[%swap3A_89], %swap3A_92 {strides = array<i32>} : memref<80xi32, #tpu.memory_space<vmem>>, vector<16xi32>,
      %add3A_93 = arith.constant 48 : i32
      %add3A_94 = arith.addi %add3A_69, %add3A_93 : i32
      %add3A_95 = vector.broadcast %add3A_94 : i32 to vector<16xi32>
      %add3A_96 = arith.addi %iota3A, %add3A_95 : vector<16xi32>
      %swap3A_97 = arith.constant 48 : index
      %swap3A_98 = tpu.vector_load %arg9[%swap3A_97] {strides = array<i32>} : memref<80xi32, #tpu.memory_space<vmem>>, vector<16xi32>,
      %swap3A_99 = vector.shape_cast %swap3A_98 : vector<16xi32> to vector<16xi32>
      %swap3A_100 = vector.shape_cast %add3A_96 : vector<16xi32> to vector<16xi32>
      tpu.vector_store %arg9[%swap3A_97], %swap3A_100 {strides = array<i32>} : memref<80xi32, #tpu.memory_space<vmem>>, vector<16xi32>,
      %add3A_101 = arith.constant 64 : i32
      %add3A_102 = arith.addi %add3A_69, %add3A_101 : i32
      %add3A_103 = vector.broadcast %add3A_102 : i32 to vector<16xi32>
      %add3A_104 = arith.addi %iota3A, %add3A_103 : vector<16xi32>
      %swap3A_105 = arith.constant 64 : index
      %swap3A_106 = tpu.vector_load %arg9[%swap3A_105] {strides = array<i32>} : memref<80xi32, #tpu.memory_space<vmem>>, vector<16xi32>,
      %swap3A_107 = vector.shape_cast %swap3A_106 : vector<16xi32> to vector<16xi32>
      %swap3A_108 = vector.shape_cast %add3A_104 : vector<16xi32> to vector<16xi32>
      tpu.vector_store %arg9[%swap3A_105], %swap3A_108 {strides = array<i32>} : memref<80xi32, #tpu.memory_space<vmem>>, vector<16xi32>,
      %dma_start3A = arith.constant 0 : i32
      %dma_start3A_109 = arith.constant 0 : i32
      %dma_start3A_110 = tpu.memref_slice %arg11[%dma_start3A, %dma_start3A_109] : memref<10240x128xf32, #tpu.memory_space<vmem_shared>> -> memref<10240x128xf32, #tpu.memory_space<vmem_shared>>
      tpu.enqueue_indirect_dma source(%dma_start3A_110 : memref<10240x128xf32, #tpu.memory_space<vmem_shared>>) target(%arg10 : memref<80x128xf32, #tpu.memory_space<vmem>>) offsets(%arg9 : memref<80xi32, #tpu.memory_space<vmem>>) semaphore(%arg12 : memref<!tpu.dma_semaphore, #tpu.memory_space<semaphore_mem>>)
      %dma_wait3A = arith.constant 0 : i32
      %dma_wait3A_111 = arith.constant 0 : i32
      %dma_wait3A_112 = tpu.memref_slice %arg11[%dma_wait3A, %dma_wait3A_111] : memref<10240x128xf32, #tpu.memory_space<vmem_shared>> -> memref<10240x128xf32, #tpu.memory_space<vmem_shared>>
      tpu.wait_indirect_dma semaphore(%arg12 : memref<!tpu.dma_semaphore, #tpu.memory_space<semaphore_mem>>) src(%dma_wait3A_112 : memref<10240x128xf32, #tpu.memory_space<vmem_shared>>) dst(%arg10 : memref<80x128xf32, #tpu.memory_space<vmem>>)
      %mul3A_113 = arith.constant 80 : i32
      %mul3A_114 = arith.muli %scan3A_66, %mul3A_113 : i32
      %add3A_115 = arith.addi %mul3A_2, %mul3A_114 : i32
      "tpu.region"() ({
        %run_scoped3A = tpu.sem_alloc : memref<!tpu.dma_semaphore, #tpu.memory_space<semaphore_mem>>
        %dma_start3A_116 = arith.constant 0 : i32
        %dma_start3A_117 = tpu.memref_slice %arg6[%arg0, %add3A_115, %dma_start3A_116] : memref<2x10240x128xf32, #tpu.memory_space<hbm>> -> memref<1x80x128xf32, #tpu.memory_space<hbm>>
        %dma_start3A_118 = tpu.memref_squeeze %dma_start3A_117 : memref<1x80x128xf32, #tpu.memory_space<hbm>> -> memref<80x128xf32, #tpu.memory_space<hbm>>
        %dma_start3A_119 = arith.constant 0 : i32
        %dma_start3A_120 = tpu.memref_slice %arg6[%arg0, %add3A_115, %dma_start3A_119] : memref<2x10240x128xf32, #tpu.memory_space<hbm>> -> memref<1x80x128xf32, #tpu.memory_space<hbm>>
        %dma_start3A_121 = tpu.memref_squeeze %dma_start3A_120 : memref<1x80x128xf32, #tpu.memory_space<hbm>> -> memref<80x128xf32, #tpu.memory_space<hbm>>
        tpu.enqueue_dma source(%arg10 : memref<80x128xf32, #tpu.memory_space<vmem>>) target(%dma_start3A_121 : memref<80x128xf32, #tpu.memory_space<hbm>>) target_semaphore(%run_scoped3A : memref<!tpu.dma_semaphore, #tpu.memory_space<semaphore_mem>>)
        %dma_wait3A_122 = arith.constant 0 : i32
        %dma_wait3A_123 = tpu.memref_slice %arg6[%arg0, %add3A_115, %dma_wait3A_122] : memref<2x10240x128xf32, #tpu.memory_space<hbm>> -> memref<1x80x128xf32, #tpu.memory_space<hbm>>
        %dma_wait3A_124 = tpu.memref_squeeze %dma_wait3A_123 : memref<1x80x128xf32, #tpu.memory_space<hbm>> -> memref<80x128xf32, #tpu.memory_space<hbm>>
        %dma_wait3A_125 = arith.constant 0 : i32
        %dma_wait3A_126 = tpu.memref_slice %arg6[%arg0, %add3A_115, %dma_wait3A_125] : memref<2x10240x128xf32, #tpu.memory_space<hbm>> -> memref<1x80x128xf32, #tpu.memory_space<hbm>>
        %dma_wait3A_127 = tpu.memref_squeeze %dma_wait3A_126 : memref<1x80x128xf32, #tpu.memory_space<hbm>> -> memref<80x128xf32, #tpu.memory_space<hbm>>
        tpu.wait_dma2 semaphore(%run_scoped3A : memref<!tpu.dma_semaphore, #tpu.memory_space<semaphore_mem>>) src(%arg10 : memref<80x128xf32, #tpu.memory_space<vmem>>) dst(%dma_wait3A_127 : memref<80x128xf32, #tpu.memory_space<hbm>>)
        tpu.yield
      }) : () -> ()
    }
    %scan3A_65 = arith.constant 8 : i32
    return
  }
}

module attributes {stable_mosaic.version = 14 : i64} {
  func.func @body(%arg0: i32, %arg1: memref<1000x128xf32, #tpu.memory_space<vmem>>, %arg2: memref<1000x128xf32, #tpu.memory_space<vmem>>, %arg3: memref<1000x128xf32, #tpu.memory_space<vmem>>, %arg4: memref<1000x128xf32, #tpu.memory_space<vmem>>, %arg5: memref<1000x128xf32, #tpu.memory_space<vmem>>, %arg6: memref<256x128xf32, #tpu.memory_space<vmem>>, %arg7: memref<1x128xf32, #tpu.memory_space<vmem>>, %arg8: memref<1000x128xf32, #tpu.memory_space<vmem>>) attributes {dimension_semantics = [#tpu.dimension_semantics<arbitrary>], iteration_bounds = array<i64: 10>, scalar_prefetch = 0 : i64, scratch_operands = 0 : i64, tpu.core_type = #tpu.core_type<tc>, window_params = [{transform_indices = @transform_0, window_bounds = array<i64: 1000, 128>}, {transform_indices = @transform_1, window_bounds = array<i64: 1000, 128>}, {transform_indices = @transform_2, window_bounds = array<i64: 1000, 128>}, {transform_indices = @transform_3, window_bounds = array<i64: 1000, 128>}, {transform_indices = @transform_4, window_bounds = array<i64: 1000, 128>}, {pipeline_mode = #tpu.pipeline_mode<synchronous>, transform_indices = @transform_5, window_bounds = array<i64: 256, 128>}, {pipeline_mode = #tpu.pipeline_mode<synchronous>, transform_indices = @transform_6, window_bounds = array<i64: 1, 128>}, {transform_indices = @transform_7, window_bounds = array<i64: 1000, 128>}]} {
    %get3A = arith.constant 0 : index
    %get3A_0 = arith.constant 0 : index
    %get3A_1 = vector.load %arg4[%get3A, %get3A_0] : memref<1000x128xf32, #tpu.memory_space<vmem>>, vector<1000x1xf32>
    %get3A_2 = arith.constant 0 : index
    %get3A_3 = arith.constant 0 : index
    %get3A_4 = vector.load %arg5[%get3A_2, %get3A_3] : memref<1000x128xf32, #tpu.memory_space<vmem>>, vector<1000x1xf32>
    %add3A = arith.addf %get3A_1, %get3A_4 : vector<1000x1xf32>
    %get3A_5 = arith.constant 0 : index
    %get3A_6 = arith.constant 0 : index
    %get3A_7 = vector.load %arg2[%get3A_5, %get3A_6] : memref<1000x128xf32, #tpu.memory_space<vmem>>, vector<1000x128xf32>
    %get3A_8 = arith.constant 0 : index
    %get3A_9 = arith.constant 0 : index
    %get3A_10 = vector.load %arg3[%get3A_8, %get3A_9] : memref<1000x128xf32, #tpu.memory_space<vmem>>, vector<1000x128xf32>
    %add3A_11 = arith.addf %get3A_7, %get3A_10 : vector<1000x128xf32>
    %add3A_12 = arith.constant 9.99999993E-9 : f32
    %add3A_13 = vector.broadcast %add3A_12 : f32 to vector<1000x1xf32>
    %add3A_14 = arith.addf %add3A, %add3A_13 : vector<1000x1xf32>
    %div3A = vector.broadcast %add3A_14 : vector<1000x1xf32> to vector<1000x128xf32>
    %div3A_15 = arith.divf %add3A_11, %div3A : vector<1000x128xf32>
    %get3A_16 = arith.constant 0 : index
    %get3A_17 = arith.constant 0 : index
    %get3A_18 = vector.load %arg1[%get3A_16, %get3A_17] : memref<1000x128xf32, #tpu.memory_space<vmem>>, vector<1000x128xf32>
    %get3A_19 = arith.constant 0 : index
    %get3A_20 = arith.constant 0 : index
    %get3A_21 = vector.load %arg6[%get3A_19, %get3A_20] : memref<256x128xf32, #tpu.memory_space<vmem>>, vector<128x128xf32>
    %dot_general3A = arith.constant dense<0.000000e+00> : vector<1000x128xf32>
    %dot_general3A_22 = tpu.matmul %get3A_18, %get3A_21, %dot_general3A {dimension_numbers = #tpu.dot_dimension_numbers<[1], [0], [0], [1], [0, 0, 1, 1], [], []>, transpose_lhs_hint = false} : vector<1000x128xf32>, vector<128x128xf32>, vector<1000x128xf32> -> vector<1000x128xf32>
    %get3A_23 = arith.constant 128 : index
    %get3A_24 = arith.constant 0 : index
    %get3A_25 = vector.load %arg6[%get3A_23, %get3A_24] : memref<256x128xf32, #tpu.memory_space<vmem>>, vector<128x128xf32>
    %dot_general3A_26 = arith.constant dense<0.000000e+00> : vector<1000x128xf32>
    %dot_general3A_27 = tpu.matmul %div3A_15, %get3A_25, %dot_general3A_26 {dimension_numbers = #tpu.dot_dimension_numbers<[1], [0], [0], [1], [0, 0, 1, 1], [], []>, transpose_lhs_hint = false} : vector<1000x128xf32>, vector<128x128xf32>, vector<1000x128xf32> -> vector<1000x128xf32>
    %add3A_28 = arith.addf %dot_general3A_22, %dot_general3A_27 : vector<1000x128xf32>
    %get3A_29 = arith.constant 0 : index
    %get3A_30 = arith.constant 0 : index
    %get3A_31 = vector.load %arg7[%get3A_29, %get3A_30] : memref<1x128xf32, #tpu.memory_space<vmem>>, vector<1x128xf32>
    %add3A_32 = vector.broadcast %get3A_31 : vector<1x128xf32> to vector<1000x128xf32>
    %add3A_33 = arith.addf %add3A_28, %add3A_32 : vector<1000x128xf32>
    %max3A = arith.constant 0.000000e+00 : f32
    %max3A_34 = vector.broadcast %max3A : f32 to vector<1000x128xf32>
    %max3A_35 = arith.maximumf %add3A_33, %max3A_34 : vector<1000x128xf32>
    %swap3A = arith.constant 0 : index
    %swap3A_36 = arith.constant 0 : index
    %swap3A_37 = vector.load %arg8[%swap3A, %swap3A_36] : memref<1000x128xf32, #tpu.memory_space<vmem>>, vector<1000x128xf32>
    tpu.vector_store %arg8[%swap3A, %swap3A_36], %max3A_35 {strides = array<i32>} : memref<1000x128xf32, #tpu.memory_space<vmem>>, vector<1000x128xf32>,
    return
  }
  func.func @transform_0(%arg0: i32) -> (i32, i32) {
    %c0_i32 = arith.constant 0 : i32
    %c0_i32_0 = arith.constant 0 : i32
    return %arg0, %c0_i32 : i32, i32
  }
  func.func @transform_1(%arg0: i32) -> (i32, i32) {
    %c0_i32 = arith.constant 0 : i32
    %c0_i32_0 = arith.constant 0 : i32
    return %arg0, %c0_i32 : i32, i32
  }
  func.func @transform_2(%arg0: i32) -> (i32, i32) {
    %c0_i32 = arith.constant 0 : i32
    %c0_i32_0 = arith.constant 0 : i32
    return %arg0, %c0_i32 : i32, i32
  }
  func.func @transform_3(%arg0: i32) -> (i32, i32) {
    %c0_i32 = arith.constant 0 : i32
    %c0_i32_0 = arith.constant 0 : i32
    return %arg0, %c0_i32 : i32, i32
  }
  func.func @transform_4(%arg0: i32) -> (i32, i32) {
    %c0_i32 = arith.constant 0 : i32
    %c0_i32_0 = arith.constant 0 : i32
    return %arg0, %c0_i32 : i32, i32
  }
  func.func @transform_5(%arg0: i32) -> (i32, i32) {
    %c0_i32 = arith.constant 0 : i32
    %c0_i32_0 = arith.constant 0 : i32
    %c0_i32_1 = arith.constant 0 : i32
    return %c0_i32, %c0_i32_0 : i32, i32
  }
  func.func @transform_6(%arg0: i32) -> (i32, i32) {
    %c0_i32 = arith.constant 0 : i32
    %c0_i32_0 = arith.constant 0 : i32
    %c0_i32_1 = arith.constant 0 : i32
    return %c0_i32, %c0_i32_0 : i32, i32
  }
  func.func @transform_7(%arg0: i32) -> (i32, i32) {
    %c0_i32 = arith.constant 0 : i32
    %c0_i32_0 = arith.constant 0 : i32
    return %arg0, %c0_i32 : i32, i32
  }
}

module attributes {stable_mosaic.version = 14 : i64} {
  func.func @body(%arg0: i32, %arg1: memref<2048x128xf32, #tpu.memory_space<vmem>>, %arg2: memref<2048x128xf32, #tpu.memory_space<vmem>>, %arg3: memref<2048x128xf32, #tpu.memory_space<vmem>>, %arg4: memref<384x128xf32, #tpu.memory_space<vmem>>, %arg5: memref<1x128xf32, #tpu.memory_space<vmem>>, %arg6: memref<1x128xf32, #tpu.memory_space<vmem>>, %arg7: memref<1x1xf32, #tpu.memory_space<vmem>>, %arg8: memref<2048x1xf32, #tpu.memory_space<vmem>>) attributes {dimension_semantics = [#tpu.dimension_semantics<arbitrary>], iteration_bounds = array<i64: 8>, scalar_prefetch = 0 : i64, scratch_operands = 0 : i64, tpu.core_type = #tpu.core_type<tc>, window_params = [{transform_indices = @transform_0, window_bounds = array<i64: 2048, 128>}, {transform_indices = @transform_1, window_bounds = array<i64: 2048, 128>}, {transform_indices = @transform_2, window_bounds = array<i64: 2048, 128>}, {pipeline_mode = #tpu.pipeline_mode<synchronous>, transform_indices = @transform_3, window_bounds = array<i64: 384, 128>}, {pipeline_mode = #tpu.pipeline_mode<synchronous>, transform_indices = @transform_4, window_bounds = array<i64: 1, 128>}, {pipeline_mode = #tpu.pipeline_mode<synchronous>, transform_indices = @transform_5, window_bounds = array<i64: 1, 128>}, {pipeline_mode = #tpu.pipeline_mode<synchronous>, transform_indices = @transform_6, window_bounds = array<i64: 1, 1>}, {transform_indices = @transform_7, window_bounds = array<i64: 2048, 1>}]} {
    %get3A = arith.constant 0 : index
    %get3A_0 = arith.constant 0 : index
    %get3A_1 = vector.load %arg1[%get3A, %get3A_0] : memref<2048x128xf32, #tpu.memory_space<vmem>>, vector<2048x128xf32>
    %get3A_2 = arith.constant 0 : index
    %get3A_3 = arith.constant 0 : index
    %get3A_4 = vector.load %arg4[%get3A_2, %get3A_3] : memref<384x128xf32, #tpu.memory_space<vmem>>, vector<128x128xf32>
    %dot_general3A = arith.constant dense<0.000000e+00> : vector<2048x128xf32>
    %dot_general3A_5 = tpu.matmul %get3A_1, %get3A_4, %dot_general3A {dimension_numbers = #tpu.dot_dimension_numbers<[1], [0], [0], [1], [0, 0, 1, 1], [], []>, transpose_lhs_hint = false} : vector<2048x128xf32>, vector<128x128xf32>, vector<2048x128xf32> -> vector<2048x128xf32>
    %get3A_6 = arith.constant 0 : index
    %get3A_7 = arith.constant 0 : index
    %get3A_8 = vector.load %arg2[%get3A_6, %get3A_7] : memref<2048x128xf32, #tpu.memory_space<vmem>>, vector<2048x128xf32>
    %get3A_9 = arith.constant 128 : index
    %get3A_10 = arith.constant 0 : index
    %get3A_11 = vector.load %arg4[%get3A_9, %get3A_10] : memref<384x128xf32, #tpu.memory_space<vmem>>, vector<128x128xf32>
    %dot_general3A_12 = arith.constant dense<0.000000e+00> : vector<2048x128xf32>
    %dot_general3A_13 = tpu.matmul %get3A_8, %get3A_11, %dot_general3A_12 {dimension_numbers = #tpu.dot_dimension_numbers<[1], [0], [0], [1], [0, 0, 1, 1], [], []>, transpose_lhs_hint = false} : vector<2048x128xf32>, vector<128x128xf32>, vector<2048x128xf32> -> vector<2048x128xf32>
    %add3A = arith.addf %dot_general3A_5, %dot_general3A_13 : vector<2048x128xf32>
    %get3A_14 = arith.constant 0 : index
    %get3A_15 = arith.constant 0 : index
    %get3A_16 = vector.load %arg3[%get3A_14, %get3A_15] : memref<2048x128xf32, #tpu.memory_space<vmem>>, vector<2048x128xf32>
    %get3A_17 = arith.constant 256 : index
    %get3A_18 = arith.constant 0 : index
    %get3A_19 = vector.load %arg4[%get3A_17, %get3A_18] : memref<384x128xf32, #tpu.memory_space<vmem>>, vector<128x128xf32>
    %dot_general3A_20 = arith.constant dense<0.000000e+00> : vector<2048x128xf32>
    %dot_general3A_21 = tpu.matmul %get3A_16, %get3A_19, %dot_general3A_20 {dimension_numbers = #tpu.dot_dimension_numbers<[1], [0], [0], [1], [0, 0, 1, 1], [], []>, transpose_lhs_hint = false} : vector<2048x128xf32>, vector<128x128xf32>, vector<2048x128xf32> -> vector<2048x128xf32>
    %add3A_22 = arith.addf %add3A, %dot_general3A_21 : vector<2048x128xf32>
    %get3A_23 = arith.constant 0 : index
    %get3A_24 = arith.constant 0 : index
    %get3A_25 = vector.load %arg5[%get3A_23, %get3A_24] : memref<1x128xf32, #tpu.memory_space<vmem>>, vector<1x128xf32>
    %add3A_26 = vector.broadcast %get3A_25 : vector<1x128xf32> to vector<2048x128xf32>
    %add3A_27 = arith.addf %add3A_22, %add3A_26 : vector<2048x128xf32>
    %max3A = arith.constant 0.000000e+00 : f32
    %max3A_28 = vector.broadcast %max3A : f32 to vector<2048x128xf32>
    %max3A_29 = arith.maximumf %add3A_27, %max3A_28 : vector<2048x128xf32>
    %get3A_30 = arith.constant 0 : index
    %get3A_31 = arith.constant 0 : index
    %get3A_32 = vector.load %arg6[%get3A_30, %get3A_31] : memref<1x128xf32, #tpu.memory_space<vmem>>, vector<1x128xf32>
    %mul3A = vector.broadcast %get3A_32 : vector<1x128xf32> to vector<2048x128xf32>
    %mul3A_33 = arith.mulf %max3A_29, %mul3A : vector<2048x128xf32>
    %reduce_sum3A = arith.constant dense<0.000000e+00> : vector<2048xf32>
    %reduce_sum3A_34 = vector.multi_reduction <add>, %mul3A_33, %reduce_sum3A [1] : vector<2048x128xf32> to vector<2048xf32>
    %broadcast_in_dim3A = vector.shape_cast %reduce_sum3A_34 : vector<2048xf32> to vector<2048x1xf32>
    %get3A_35 = arith.constant 0 : index
    %get3A_36 = arith.constant 0 : index
    %get3A_37 = vector.load %arg7[%get3A_35, %get3A_36] : memref<1x1xf32, #tpu.memory_space<vmem>>, vector<1x1xf32>
    %add3A_38 = vector.broadcast %get3A_37 : vector<1x1xf32> to vector<2048x1xf32>
    %add3A_39 = arith.addf %broadcast_in_dim3A, %add3A_38 : vector<2048x1xf32>
    %logistic3A = arith.negf %add3A_39 : vector<2048x1xf32>
    %logistic3A_40 = math.exp %logistic3A : vector<2048x1xf32>
    %logistic3A_41 = arith.constant 1.000000e+00 : f32
    %logistic3A_42 = vector.broadcast %logistic3A_41 : f32 to vector<2048x1xf32>
    %logistic3A_43 = arith.addf %logistic3A_42, %logistic3A_40 : vector<2048x1xf32>
    %logistic3A_44 = arith.divf %logistic3A_42, %logistic3A_43 : vector<2048x1xf32>
    %swap3A = arith.constant 0 : index
    %swap3A_45 = arith.constant 0 : index
    %swap3A_46 = vector.load %arg8[%swap3A, %swap3A_45] : memref<2048x1xf32, #tpu.memory_space<vmem>>, vector<2048x1xf32>
    tpu.vector_store %arg8[%swap3A, %swap3A_45], %logistic3A_44 {strides = array<i32>} : memref<2048x1xf32, #tpu.memory_space<vmem>>, vector<2048x1xf32>,
    return
  }
  func.func @transform_0(%arg0: i32) -> (i32, i32) {
    %c0_i32 = arith.constant 0 : i32
    %c0_i32_0 = arith.constant 0 : i32
    return %arg0, %c0_i32 : i32, i32
  }
  func.func @transform_1(%arg0: i32) -> (i32, i32) {
    %c0_i32 = arith.constant 0 : i32
    %c0_i32_0 = arith.constant 0 : i32
    return %arg0, %c0_i32 : i32, i32
  }
  func.func @transform_2(%arg0: i32) -> (i32, i32) {
    %c0_i32 = arith.constant 0 : i32
    %c0_i32_0 = arith.constant 0 : i32
    return %arg0, %c0_i32 : i32, i32
  }
  func.func @transform_3(%arg0: i32) -> (i32, i32) {
    %c0_i32 = arith.constant 0 : i32
    %c0_i32_0 = arith.constant 0 : i32
    %c0_i32_1 = arith.constant 0 : i32
    return %c0_i32, %c0_i32_0 : i32, i32
  }
  func.func @transform_4(%arg0: i32) -> (i32, i32) {
    %c0_i32 = arith.constant 0 : i32
    %c0_i32_0 = arith.constant 0 : i32
    %c0_i32_1 = arith.constant 0 : i32
    return %c0_i32, %c0_i32_0 : i32, i32
  }
  func.func @transform_5(%arg0: i32) -> (i32, i32) {
    %c0_i32 = arith.constant 0 : i32
    %c0_i32_0 = arith.constant 0 : i32
    %c0_i32_1 = arith.constant 0 : i32
    return %c0_i32, %c0_i32_0 : i32, i32
  }
  func.func @transform_6(%arg0: i32) -> (i32, i32) {
    %c0_i32 = arith.constant 0 : i32
    %c0_i32_0 = arith.constant 0 : i32
    %c0_i32_1 = arith.constant 0 : i32
    return %c0_i32, %c0_i32_0 : i32, i32
  }
  func.func @transform_7(%arg0: i32) -> (i32, i32) {
    %c0_i32 = arith.constant 0 : i32
    %c0_i32_0 = arith.constant 0 : i32
    return %arg0, %c0_i32 : i32, i32
  }
}

</mosaic_0001>

<sc_bundles>
// kernel: kernel.11.cloned.1.call-start
scs
__scs_entry_jumppad:
0x0: {  	(pc) =	sbr.rel $0x88, $3  }
0x1: {  	(tag) =	ssettag $0x0;
	lr =	simm.s32 $0x1  }
0x2: {  	[smem:$0x3F93] =	sst lr;
	_ =	strace $0xD0000000  }
0x3: {  	_ = 	snop  }
0x4: {  	_ = 	snop  }
0x5: {  	_ = 	snop  }
0x6: {  	_ = 	snop  }
0x7: {  	_ = 	snop  }
__scs_overlays_trampoline_lowered:
0x8: {  	[smem:$0x3FA2] =	sst s0  }
0x9: {  	[smem:$0x3FA3] =	sst s1  }
0xa: {  	[smem:$0x3FA4] =	sst s2  }
0xb: {  	[smem:$0x3FA5] =	sst s3  }
0xc: {  	[smem:$0x3FA6] =	sst s4  }
0xd: {  	[smem:$0x3FA7] =	sst s5  }
0xe: {  	[smem:$0x3FA8] =	sst s6  }
0xf: {  	[smem:$0x3FA9] =	sst s7  }
0x10: {  	[smem:$0x3FAA] =	sst s8  }
0x11: {  	[smem:$0x3FAB] =	sst s9;
	s0 =	simm.s32 @!p0 $0x0  }
0x12: {  	s1 =	sld [smem:$0x3F91];
	s0 =	simm.s32 @p0 $0x1  }
0x13: {  	[smem:$0x3FAC] =	sst s0;
	s0 =	simm.s32 @!p1 $0x0  }
0x14: {  	s2 =	sld [smem:$0x3F90];
	s0 =	simm.s32 @p1 $0x1  }
0x15: {  	[smem:$0x3FAD] =	sst s0;
	s0 =	simm.s32 @!p2 $0x0  }
0x16: {  	s3 =	sld [smem:$0x3FDB];
	s0 =	simm.s32 @p2 $0x1  }
0x17: {  	s4 =	simm.s32 $0x1BF5;
	[smem:$0x3FAF] =	sst s0  }
0x18: {  	s0 =	sld [smem:$0x3F92];
	_ =	swait.ge [sflag:s4], $0x0  }
0x19: {  	s7 =	sld [smem:$0x3F93]  }
0x1a: {  	s8 =	sadd.s32 $0xFFFFE003, lr  }
0x1b: {  	s9 =	sadd.s32 $0xFFFFFEF7, lr;
	s5 =	simm.s32 $0xFFFFFFFF;
	p2 =	slt.u32 s8, $0xFFFFF086  }
0x1c: {  	p1 =	slt.u32 s9, $0xF7A;
	s5 =	simm.s32 @!p2 $0x0  }
0x1d: {  	s5 =	simm.s32 @p1 $0x1;
	p0 =	seq.s32 s7, s2  }
0x1e: {  	s7 =	smul.u32 @!p0 $0xF7A, s2;
	p2 =	seq.s32 @!p0 s5, $0x0  }
0x1f: {  	s9 =	smul.u32 $0xF7A, s1;
	s8 =	simm.s32 @!p0 $0x1BF5;
	p2 =	por !p2, p0  }
0x20: {  	[sflag:s8] =	ssyncset.s32 @!p0 $0xFFFFF086;
	s6 =	sadd.s32 @!p0 s3, s7;
	s7 =	simm.s32 @!p0 $0x108  }
0x21: {  	s3 =	sadd.s32 s3, s9;
	s6 =	sadd.s32 @!p0 $0x88, s6;
	s7 =	simm.s32 @p2 $0x1082  }
0x22: {  	[simem:s7], [sflag:s8] =	dma.local @!p0 [hbm:s6], $0xF7A  }
0x23: {  	s9 =	sor.u32 $0xD0000000, s2;
	s6 =	simm.s32 $0x108;
	_ =	swait.ge @!p0 [sflag:s8], $0x0  }
0x24: {  	s3 =	sadd.s32 $0x88, s3;
	s6 =	simm.s32 @!p1 $0x1082;
	[sflag:s4] =	ssyncset.s32 $0xFFFFF086  }
0x25: {  	[simem:s6], [sflag:s4] =	dma.local [hbm:s3], $0xF7A  }
0x26: {  	[smem:$0x3F93] =	sst s1;
	(tag) =	ssettag s2;
	_ =	strace s9  }
0x27: {  	s1 =	sld [smem:$0x3FA3]  }
0x28: {  	s2 =	sld [smem:$0x3FA4]  }
0x29: {  	s4 =	sld [smem:$0x3FA6]  }
0x2a: {  	p0 =	seq.s32 s5, $0x0;
	s5 =	sld [smem:$0x3FA7]  }
0x2b: {  	s6 =	sld [smem:$0x3FA8]  }
0x2c: {  	s7 =	sld [smem:$0x3FA9]  }
0x2d: {  	s3 =	simm.s32 $0x108;
	s8 =	sld [smem:$0x3FAA]  }
0x2e: {  	s3 =	simm.s32 @!p0 $0x1082;
	s9 =	sld [smem:$0x3FAB]  }
0x2f: {  	lr =	sadd.s32 s0, s3;
	s0 =	sld [smem:$0x3FA2]  }
0x30: {  	s3 =	sld [smem:$0x3FA5]  }
0x31: {  	[smem:$0x3FAE] =	sst s10  }
0x32: {  	s10 =	sld [smem:$0x3FAC];
	_ =	sdelay $0x3  }
0x33: {  	p0 =	seq.s32 s10, $0x1;
	s10 =	sld [smem:$0x3FAE];
	_ =	sdelay $0x3  }
0x34: {  	[smem:$0x3FAE] =	sst s10  }
0x35: {  	s10 =	sld [smem:$0x3FAD];
	_ =	sdelay $0x3  }
0x36: {  	p1 =	seq.s32 s10, $0x1;
	s10 =	sld [smem:$0x3FAE];
	_ =	sdelay $0x3  }
0x37: {  	[smem:$0x3FAE] =	sst s10  }
0x38: {  	s10 =	sld [smem:$0x3FAF]  }
0x39: {  	_ = 	snop;
	(pc) =	sbr.ind lr, $3  }
0x3a: {  	_ = 	snop  }
0x3b: {  	_ = 	snop  }
0x3c: {  	p2 =	seq.s32 s10, $0x1;
	s10 =	sld [smem:$0x3FAE]  }
0x3d: {  	_ =	shalt  }
0x3e: {  	_ =	shalt  }
0x3f: {  	_ =	shalt  }
0x40: {  	_ =	shalt  }
0x41: {  	_ =	shalt  }
0x42: {  	_ =	shalt  }
0x43: {  	_ =	shalt  }
0x44: {  	_ =	shalt  }
0x45: {  	_ =	shalt  }
0x46: {  	_ =	shalt  }
0x47: {  	_ =	shalt  }
0x48: {  	_ =	shalt  }
0x49: {  	_ =	shalt  }
0x4a: {  	_ =	shalt  }
0x4b: {  	_ =	shalt  }
0x4c: {  	_ =	shalt  }
0x4d: {  	_ =	shalt  }
0x4e: {  	_ =	shalt  }
0x4f: {  	_ =	shalt  }
0x50: {  	_ =	shalt  }
0x51: {  	_ =	shalt  }
0x52: {  	_ =	shalt  }
0x53: {  	_ =	shalt  }
0x54: {  	_ =	shalt  }
0x55: {  	_ =	shalt  }
0x56: {  	_ =	shalt  }
0x57: {  	_ =	shalt  }
0x58: {  	_ =	shalt  }
0x59: {  	_ =	shalt  }
0x5a: {  	_ =	shalt  }
0x5b: {  	_ =	shalt  }
0x5c: {  	_ =	shalt  }
0x5d: {  	_ =	shalt  }
0x5e: {  	_ =	shalt  }
0x5f: {  	_ =	shalt  }
0x60: {  	_ =	shalt  }
0x61: {  	_ =	shalt  }
0x62: {  	_ =	shalt  }
0x63: {  	_ =	shalt  }
0x64: {  	_ =	shalt  }
0x65: {  	_ =	shalt  }
0x66: {  	_ =	shalt  }
0x67: {  	_ =	shalt  }
0x68: {  	_ =	shalt  }
0x69: {  	_ =	shalt  }
0x6a: {  	_ =	shalt  }
0x6b: {  	_ =	shalt  }
0x6c: {  	_ =	shalt  }
0x6d: {  	_ =	shalt  }
0x6e: {  	_ =	shalt  }
0x6f: {  	_ =	shalt  }
0x70: {  	_ =	shalt  }
0x71: {  	_ =	shalt  }
0x72: {  	_ =	shalt  }
0x73: {  	_ =	shalt  }
0x74: {  	_ =	shalt  }
0x75: {  	_ =	shalt  }
0x76: {  	_ =	shalt  }
0x77: {  	_ =	shalt  }
0x78: {  	_ =	shalt  }
0x79: {  	_ =	shalt  }
0x7a: {  	_ =	shalt  }
0x7b: {  	_ =	shalt  }
0x7c: {  	_ =	shalt  }
0x7d: {  	_ =	shalt  }
0x7e: {  	_ =	shalt  }
0x7f: {  	_ =	shalt  }
0x80: {  	_ =	shalt  }
0x81: {  	_ =	shalt  }
0x82: {  	_ =	shalt  }
0x83: {  	_ =	shalt  }
0x84: {  	_ =	shalt  }
0x85: {  	_ =	shalt  }
0x86: {  	_ =	shalt  }
0x87: {  	_ =	shalt  }
.Lfunc_end0:
.L_simem_size_0:
called_computation.1_lowered:
.L_overlay_start_0:
0x88: {  	s2 =	sld [smem:$0x3FD9]  }
0x89: {  	s3 =	sld [smem:$0x3FFE];
	_ =	sdelay $0x1  }
0x8a: {  	s1 =	srdreg.scid  }
0x8b: {  	s0 =	sand.u32 $0x1, s1  }
0x8c: {  	s16 =	sshll.u32 s0, $0xA;
	s2 =	sadd.s32 s3, s2  }
0x8d: {  	s2 =	sadd.s32 s2, s16  }
0x8e: {  	[smem:$0x3FBA] =	sst s2  }
0x8f: {  	_ = 	snop  }
0x90: {  	(tm) =	ssettm $0x1  }
0x91: {  	s17 =	sld [smem:$0x3FFB];
	_ =	sdelay $0x3  }
0x92: {  	_ =	strace s17  }
0x93: {  	s2 =	sld [smem:$0x3FFC];
	_ =	sdelay $0x3  }
0x94: {  	_ =	strace s2  }
0x95: {  	s2 =	sld [smem:$0x3FFD];
	_ =	sdelay $0x3  }
0x96: {  	_ =	strace s2  }
0x97: {  	_ =	strace $0x8FFFFFFF  }
0x98: {  	s18 =	sld [smem:$0x3FDB];
	_ =	sdelay $0x1  }
0x99: {  	s19 =	simm.s32 $_scs_section_size  }
0x9a: {  	s4 =	simm.s32 $_size__tile_overlayer_lowered;
	s5 =	simm.s32 $_tile_overlayer_lowered  }
0x9b: {  	s22 =	simm.s32 $0x1BFF;
	s21 =	sshll.u32 s5, $0x1;
	s2 =	sadd.s32 s19, s18  }
0x9c: {  	s6 =	simm.s32 $0x0;
	s20 =	sshll.u32 s4, $0x1;
	s4 =	sadd.s32 s21, s2  }
0x9d: {  	[timem:s6], [sflag:s22] =	dma.local [hbm:s4], s20  }
0x9e: {  	_ =	swait.ge [sflag:s22], s20  }
0x9f: {  	s3 =	ssub.s32 $0x0, s20;
	[sflag:s22] =	ssyncset.done $0x0  }
0xa0: {  	[sflag:s22] =	ssyncadd.s32 s3;
	_ =	sdelay $0x1  }
0xa1: {  	s23 =	simm.s32 $0x1B8B  }
0xa2: {  	_ =	swait.ge [sflag:s23], $0x1  }
0xa3: {  	[sflag:s23] =	ssyncset.done $0x0  }
0xa4: {  	s25 =	simm.s32 $0x1B8E;
	s24 =	sld [smem:$0x3FFE];
	[sflag:s23] =	ssyncadd.s32 $0xFFFFFFFF  }
0xa5: {  	s26 =	simm.s32 $execute0_lowered;
	[smem:$0x3FD2] =	sst s25  }
0xa6: {  	s4 =	sshll.u32 s26, $0x1;
	_ =	strace $0x80000049;
	[dreg:$0x1] =	wrdreg $0xFFFFFFFF  }
0xa7: {  	s28 =	simm.s32 $_size_execute0_lowered;
	s2 =	sadd.s32 s2, s4;
	[dreg:$0x0] =	wrdreg $0x0  }
0xa8: {  	s4 =	sshll.u32 s28, $0x1;
	[dreg:$0x2] =	wrdreg s2  }
0xa9: {  	[dreg:$0x3] =	wrdreg s4  }
0xaa: {  	[dreg:$0x4] =	wrdreg $0xC0  }
0xab: {  	_ =	task [dreg:s6], $0x5FFFF  }
0xac: {  	[dreg:$0x1] =	wrdreg $0xFFFFFFFF  }
0xad: {  	[dreg:$0x0] =	wrdreg $0x60  }
0xae: {  	[dreg:$0x2] =	wrdreg s24  }
0xaf: {  	[dreg:$0x3] =	wrdreg $0x29800  }
0xb0: {  	[dreg:$0x4] =	wrdreg $0x9  }
0xb1: {  	_ =	task.clear_ibuf [dreg:s6], $0x5FFFF;
	_ =	strace $0x90000049  }
0xb2: {  	s29 =	simm.s32 $0x9;
	_ =	strace $0x8000004B  }
0xb3: {  	_ =	swait.ge [sflag:s29], $0x1  }
0xb4: {  	[sflag:s29] =	ssyncadd.s32 $0xFFFFFFFF  }
0xb5: {  	_ =	strace $0x9000004B  }
0xb6: {  	_ =	sfence  }
0xb7: {  	s30 =	sld [smem:$0x0];
	_ =	sdelay $0x2  }
0xb8: {  	s31 =	sshll.u32 s1, $0xD;
	s1 =	sshrl.u32 s1, $0x2  }
0xb9: {  	s3 =	sand.u32 $0x4000, s31;
	s1 =	sadd.s32 s1, s30  }
0xba: {  	s0 =	sor.u32 s3, s0;
	s1 =	sshll.u32 s1, $0x11  }
0xbb: {  	s0 =	sor.u32 s1, s0  }
0xbc: {  	s0 =	sadd.s32 $0x8F2B, s0  }
0xbd: {  	[sflag:s0] =	ssyncadd.remote.s32 $0x1  }
0xbe: {  	_ =	sfence.sel $0xFFFF  }
0xbf: {  	[dreg:$0x0] =	wrdreg $0xFFFFFFFF;
	(pc) =	sbr.abs _section_cstart, $3  }
0xc0: {  	[dreg:$0x1] =	wrdreg $0xFFFFFFFF  }
0xc1: {  	_ =	task.clear_ibuf [dreg:s6], $0x2FFFF;
	_ =	strace $0x9FFFFFFF  }
0xc2: {  	(tm) =	ssettm $0x7FFFFFFF  }
0xc3: {  	_ =	shalt  }
tec
execute0_lowered:
.L_overlay_start_1:
0x0: {  	(tag) =	ssettag $0x1  }
0x1: {  	s5 =	rddreg [dreg:$0x0]  }
0x2: {  	s0 =	srdreg.scid;
	s2 =	rddreg [dreg:$0x1]  }
0x3: {  	s1 =	rddreg [dreg:$0x2];
	s6 =	sand.u32 $0x1, s0  }
0x4: {  	s3 =	simm.s32 $0x0;
	s0 =	stileid.u32;
	s7 =	smul.u32 $0x27100, s6  }
0x5: {  	s12 =	simm.s32 $0x180;
	s13 =	simm.s32 $0x2;
	s8 =	smul.u32 $0x2710, s0  }
0x6: {  	s14 =	simm.s32 $0x80;
	s15 =	simm.s32 $0x1;
	s9 =	smul.u32 $0x140000, s6  }
0x7: {  	s16 =	simm.s32 $0x0;
	[smem:$0x7FF] =	sst s3;
	s10 =	smul.u32 $0x14000, s0  }
0x8: {  	s4 =	sadd.s32 $0x16A00, s5;
	_ =	strace $0x8000004A;
	s6 =	ssub.s32 $0x2, s6  }
0x9: {  	s30 =	sshrl.u32 s6, $0x1;
	s7 =	sadd.s32 s8, s7;
	s29 =	sadd.s32 s10, s9  }
0xa: {  	s6 =	ssub.s32 s6, s30;
	s10 =	simm.s32 $0x50;
	s7 =	sshrl.u32 s7, $0x3  }
0xb: {  	s8 =	sshrl.u32 s29, $0x3;
	s6 =	smax.u32 s6, $0x1;
	s31 =	sadd.s32 s7, s5  }
0xc: {  	s11 =	sadd.s32 s8, s5;
	s5 =	smul.u32 $0x280, s0;
	s7 =	sadd.s32 $0xCC00, s31  }
0xd: {  	v0 =	vimm.f32 $0.0e+00;
	v1 =	vlaneseq.u32;
	s8 =	sadd.s32 $0x2E00, s31;
	s9 =	sadd.s32 $0x3DC00, s11;
	s11 =	simm.s32 $0x100  }
.LBB2_1:
0xe: {  	s17 =	simm.s32 $0x0;
	s18 =	simm.s32 $0x200  }
.LBB2_2:
0xf: {  	p0 =	sne.s32 s18, $0x9E00;
	[tilespmem:s17+$0x1F0] =	vst v0  }
0x10: {  	[tilespmem:s17+$0x180] =	vst v0  }
0x11: {  	[tilespmem:s17+$0x190] =	vst v0  }
.Ltmp0:
0x12: {  	[tilespmem:s17+$0x1A0] =	vst v0;
	(pc) =	sbr.rel @p0 .LBB2_2-.Ltmp0, $4  }
0x13: {  	[tilespmem:s17+$0x1B0] =	vst v0  }
0x14: {  	[tilespmem:s17+$0x1C0] =	vst v0  }
0x15: {  	[tilespmem:s17+$0x1D0] =	vst v0  }
0x16: {  	[tilespmem:s17+$0x1E0] =	vst v0;
	s17 =	sshra.s32 s18, $0x2;
	s18 =	sadd.s32 $0x200, s18  }
0x17: {  	[tilespmem:s17+$0x1F0] =	vst v0  }
0x18: {  	[tilespmem:s17+$0x180] =	vst v0  }
0x19: {  	[tilespmem:s17+$0x190] =	vst v0  }
0x1a: {  	[tilespmem:s17+$0x1A0] =	vst v0  }
0x1b: {  	[tilespmem:s17+$0x1B0] =	vst v0  }
0x1c: {  	[tilespmem:s17+$0x1C0] =	vst v0  }
0x1d: {  	[tilespmem:s17+$0x1D0] =	vst v0;
	s18 =	sadd.s32 $0x0, s5  }
0x1e: {  	[tilespmem:s17+$0x1E0] =	vst v0;
	v2 =	vor.u32 s18, v1;
	s30 =	sadd.s32 $0x40, s18  }
0x1f: {  	s19 =	sadd.s32 $0x30, s18;
	[tilespmem:$0x100] =	vst v2;
	v2 =	vor.u32 s30, v1  }
0x20: {  	s31 =	sadd.s32 $0x20, s18;
	v3 =	vor.u32 s19, v1;
	[tilespmem:$0x140] =	vst v2  }
0x21: {  	s17 =	simm.s32 $0x50;
	s18 =	sadd.s32 $0x10, s18;
	v2 =	vor.u32 s31, v1;
	[tilespmem:$0x130] =	vst v3  }
.LBB2_4:
0x22: {  	p0 =	sne.s32 s17, $0x230;
	v3 =	vor.u32 s18, v1;
	[tilespmem:$0x120] =	vst v2  }
0x23: {  	[tilespmem:$0x110] =	vst v3;
	[spmem:s2] =	stream.indirect.scatter [tilespmem:s12], [sflag:$0x2], $0x80, s11, s10, $0xb8  }
0x24: {  	_ =	swait.ge [sflag:s13], $0x2800  }
.Ltmp1:
0x25: {  	s18 =	sadd.s32 s17, s5;
	[sflag:s13] =	ssyncset.done $0x0;
	(pc) =	sbr.rel @p0 .LBB2_4-.Ltmp1, $4  }
0x26: {  	v2 =	vor.u32 s18, v1;
	s19 =	sadd.s32 $0x40, s18;
	[sflag:s13] =	ssyncadd.s32 $0xFFFFD800  }
0x27: {  	s20 =	sadd.s32 $0x30, s18;
	[tilespmem:$0x100] =	vst v2;
	v2 =	vor.u32 s19, v1  }
0x28: {  	v3 =	vor.u32 s20, v1;
	s19 =	sadd.s32 $0x20, s18;
	[tilespmem:$0x140] =	vst v2  }
0x29: {  	s17 =	sadd.s32 $0x50, s17;
	s18 =	sadd.s32 $0x10, s18;
	v2 =	vor.u32 s19, v1;
	[tilespmem:$0x130] =	vst v3  }
0x2a: {  	v3 =	vor.u32 s18, v1;
	[tilespmem:$0x120] =	vst v2  }
0x2b: {  	[tilespmem:$0x110] =	vst v3  }
0x2c: {  	[spmem:s2] =	stream.indirect.scatter [tilespmem:s12], [sflag:$0x2], $0x80, s11, s10, $0xb8;
	[tilespmem:$0x16980] =	vst v63  }
0x2d: {  	_ =	swait.ge [sflag:s13], $0x2800  }
0x2e: {  	[sflag:s13] =	ssyncset.done $0x0  }
0x2f: {  	[sflag:s13] =	ssyncadd.s32 $0xFFFFD800  }
0x30: {  	s17 =	sadd.s32 $0x0, s8;
	[bflag:$0x0] =	sbarrier.arrive $0xFFFF  }
0x31: {  	[tilespmem:s14], [sflag:$0x2] =	stream.linear.gather [hbm4b:s17+s3], $0x50, $0x38;
	[tilespmem:$0x16980] =	vst v63  }
0x32: {  	_ =	swait.ge [sflag:s13], $0x50  }
0x33: {  	[sflag:s13] =	ssyncset.done $0x0  }
0x34: {  	s31 =	sadd.s32 $0x0, s7;
	[sflag:s13] =	ssyncadd.s32 $0xFFFFFFB0  }
0x35: {  	[tilespmem:s3], [sflag:$0x2] =	stream.linear.gather [hbm4b:s31+s3], $0x50, $0x38;
	[tilespmem:$0x16980] =	vst v63  }
0x36: {  	_ =	swait.ge [sflag:s13], $0x50  }
0x37: {  	[sflag:s13] =	ssyncset.done $0x0  }
0x38: {  	[sflag:s13] =	ssyncadd.s32 $0xFFFFFFB0  }
0x39: {  	[tilespmem:s12], [sflag:$0x1] =	stream.indirect.gather [hbm4b:s4+s10], $0x80, s14, s10, $0xb8;
	[tilespmem:$0x16980] =	vst v63  }
0x3a: {  	_ =	swait.ge [sflag:s15], $0x2800  }
0x3b: {  	[sflag:s15] =	ssyncset.done $0x0  }
0x3c: {  	[sflag:s15] =	ssyncadd.s32 $0xFFFFD800  }
0x3d: {  	[spmem:s2] =	stream.indirect.scatter.add.f32 [tilespmem:s12], [sflag:$0x2], $0x80, s3, s10, $0xb8;
	[tilespmem:$0x16980] =	vst v63  }
0x3e: {  	_ =	swait.ge [sflag:s13], $0x2800  }
0x3f: {  	s18 =	simm.s32 $0x14;
	s17 =	simm.s32 $0xA;
	[sflag:s13] =	ssyncset.done $0x0  }
.LBB2_6:
0x40: {  	s19 =	sadd.s32 s17, s8  }
0x41: {  	[sflag:s13] =	ssyncadd.s32 $0xFFFFD800;
	s20 =	smov.u32 s18;
	s21 =	sadd.s32 $0xA, s18  }
0x42: {  	[tilespmem:s14], [sflag:$0x2] =	stream.linear.gather [hbm4b:s19+s3], $0x50, $0x38;
	[tilespmem:$0x16980] =	vst v63  }
0x43: {  	p0 =	sne.s32 s18, $0x4D8;
	_ =	swait.ge [sflag:s13], $0x50  }
0x44: {  	[sflag:s13] =	ssyncset.done $0x0  }
0x45: {  	s18 =	sadd.s32 s17, s7;
	s17 =	smov.u32 s20;
	[sflag:s13] =	ssyncadd.s32 $0xFFFFFFB0  }
0x46: {  	[tilespmem:s3], [sflag:$0x2] =	stream.linear.gather [hbm4b:s18+s3], $0x50, $0x38;
	[tilespmem:$0x16980] =	vst v63  }
0x47: {  	_ =	swait.ge [sflag:s13], $0x50  }
0x48: {  	[sflag:s13] =	ssyncset.done $0x0  }
0x49: {  	[sflag:s13] =	ssyncadd.s32 $0xFFFFFFB0  }
0x4a: {  	[tilespmem:s12], [sflag:$0x1] =	stream.indirect.gather [hbm4b:s4+s10], $0x80, s14, s10, $0xb8;
	[tilespmem:$0x16980] =	vst v63  }
0x4b: {  	_ =	swait.ge [sflag:s15], $0x2800  }
.Ltmp2:
0x4c: {  	[sflag:s15] =	ssyncset.done $0x0;
	(pc) =	sbr.rel @p0 .LBB2_6-.Ltmp2, $4  }
0x4d: {  	[sflag:s15] =	ssyncadd.s32 $0xFFFFD800  }
0x4e: {  	[spmem:s2] =	stream.indirect.scatter.add.f32 [tilespmem:s12], [sflag:$0x2], $0x80, s3, s10, $0xb8;
	[tilespmem:$0x16980] =	vst v63  }
0x4f: {  	_ =	swait.ge [sflag:s13], $0x2800  }
0x50: {  	s18 =	smov.u32 s21;
	[sflag:s13] =	ssyncset.done $0x0  }
0x51: {  	s18 =	sadd.s32 s17, s8;
	[sflag:s13] =	ssyncadd.s32 $0xFFFFD800  }
0x52: {  	[tilespmem:s14], [sflag:$0x2] =	stream.linear.gather [hbm4b:s18+s3], $0x50, $0x38;
	[tilespmem:$0x16980] =	vst v63  }
0x53: {  	_ =	swait.ge [sflag:s13], $0x50  }
0x54: {  	[sflag:s13] =	ssyncset.done $0x0  }
0x55: {  	s28 =	sadd.s32 s17, s7;
	[sflag:s13] =	ssyncadd.s32 $0xFFFFFFB0  }
0x56: {  	[tilespmem:s3], [sflag:$0x2] =	stream.linear.gather [hbm4b:s28+s3], $0x50, $0x38;
	[tilespmem:$0x16980] =	vst v63  }
0x57: {  	_ =	swait.ge [sflag:s13], $0x50  }
0x58: {  	[sflag:s13] =	ssyncset.done $0x0  }
0x59: {  	[sflag:s13] =	ssyncadd.s32 $0xFFFFFFB0  }
0x5a: {  	[tilespmem:s12], [sflag:$0x1] =	stream.indirect.gather [hbm4b:s4+s10], $0x80, s14, s10, $0xb8;
	[tilespmem:$0x16980] =	vst v63  }
0x5b: {  	_ =	swait.ge [sflag:s15], $0x2800  }
0x5c: {  	[sflag:s15] =	ssyncset.done $0x0  }
0x5d: {  	[sflag:s15] =	ssyncadd.s32 $0xFFFFD800  }
0x5e: {  	[spmem:s2] =	stream.indirect.scatter.add.f32 [tilespmem:s12], [sflag:$0x2], $0x80, s3, s10, $0xb8;
	[tilespmem:$0x16980] =	vst v63  }
0x5f: {  	_ =	swait.ge [sflag:s13], $0x2800  }
0x60: {  	[sflag:s13] =	ssyncset.done $0x0  }
0x61: {  	s29 =	sadd.s32 $0x0, s5;
	[sflag:s13] =	ssyncadd.s32 $0xFFFFD800  }
0x62: {  	v2 =	vor.u32 s29, v1;
	s19 =	sadd.s32 $0x40, s29;
	[bflag:$0x0] =	sbarrier.arrive $0xFFFF  }
0x63: {  	s30 =	sadd.s32 $0x10, s29;
	v3 =	vor.u32 s19, v1;
	[tilespmem:$0x100] =	vst v2  }
0x64: {  	s31 =	sadd.s32 $0x30, s29;
	v2 =	vor.u32 s30, v1;
	[tilespmem:$0x140] =	vst v3  }
0x65: {  	s17 =	sadd.s32 $0x20, s29;
	[tilespmem:$0x110] =	vst v2;
	v2 =	vor.u32 s31, v1  }
0x66: {  	[tilespmem:$0x130] =	vst v2;
	v2 =	vor.u32 s17, v1  }
0x67: {  	[tilespmem:$0x120] =	vst v2  }
0x68: {  	[tilespmem:s12], [sflag:$0x1] =	stream.indirect.gather [spmem:s2], $0x80, s11, s10, $0xb8;
	[tilespmem:$0x16980] =	vst v63  }
0x69: {  	_ =	swait.ge [sflag:s15], $0x2800  }
0x6a: {  	s18 =	sadd.s32 $0x500, s9;
	[sflag:s15] =	ssyncset.done $0x0  }
0x6b: {  	s19 =	smov.u32 s9;
	s17 =	simm.s32 $0x50;
	[sflag:s15] =	ssyncadd.s32 $0xFFFFD800  }
.LBB2_8:
0x6c: {  	[hbm4b:s19+s3] =	stream.linear.scatter [tilespmem:s12], [sflag:$0x2], $0x2800, $0x38;
	[tilespmem:$0x16980] =	vst v63  }
0x6d: {  	s20 =	smov.u32 s17;
	s19 =	smov.u32 s18  }
0x6e: {  	p0 =	sne.s32 s17, $0x230;
	s17 =	sadd.s32 $0x50, s17;
	_ =	swait.ge [sflag:s13], $0x2800  }
0x6f: {  	s20 =	sadd.s32 s20, s5;
	[sflag:s13] =	ssyncset.done $0x0  }
0x70: {  	v2 =	vor.u32 s20, v1;
	s21 =	sadd.s32 $0x10, s20;
	s22 =	sadd.s32 $0x20, s20;
	[sflag:s13] =	ssyncadd.s32 $0xFFFFD800  }
0x71: {  	v3 =	vor.u32 s22, v1;
	[tilespmem:$0x100] =	vst v2;
	v2 =	vor.u32 s21, v1;
	s21 =	sadd.s32 $0x30, s20;
	s20 =	sadd.s32 $0x40, s20  }
0x72: {  	[tilespmem:$0x110] =	vst v2;
	v2 =	vor.u32 s21, v1;
	v4 =	vor.u32 s20, v1  }
0x73: {  	[tilespmem:$0x130] =	vst v2  }
0x74: {  	[tilespmem:$0x140] =	vst v4  }
.Ltmp3:
0x75: {  	[tilespmem:$0x120] =	vst v3;
	(pc) =	sbr.rel @p0 .LBB2_8-.Ltmp3, $4  }
0x76: {  	[tilespmem:s12], [sflag:$0x1] =	stream.indirect.gather [spmem:s2], $0x80, s11, s10, $0xb8;
	[tilespmem:$0x16980] =	vst v63  }
0x77: {  	_ =	swait.ge [sflag:s15], $0x2800  }
0x78: {  	[sflag:s15] =	ssyncset.done $0x0  }
0x79: {  	s18 =	sadd.s32 $0x500, s18;
	[sflag:s15] =	ssyncadd.s32 $0xFFFFD800  }
0x7a: {  	s16 =	sadd.s32 $0x1, s16  }
0x7b: {  	p0 =	sne.s32 s16, s6  }
.Ltmp4:
0x7c: {  	_ = 	snop;
	(pc) =	sbr.rel @p0 .LBB2_1-.Ltmp4, $4  }
0x7d: {  	[hbm4b:s19+s3] =	stream.linear.scatter [tilespmem:s12], [sflag:$0x2], $0x2800, $0x38;
	[tilespmem:$0x16980] =	vst v63  }
0x7e: {  	_ =	swait.ge [sflag:s13], $0x2800  }
0x7f: {  	[sflag:s13] =	ssyncset.done $0x0  }
0x80: {  	[sflag:s13] =	ssyncadd.s32 $0xFFFFD800  }
0x81: {  	_ =	sfence.sel $0x180000  }
0x82: {  	[bflag:$0x0] =	sbarrier.arrive $0xFFFF  }
0x83: {  	p0 =	sne.s32 s0, $0x0;
	_ =	strace $0x9000004A  }
0x84: {  	s0 =	sadd.s32 @!p0 $0x100000, s1;
	[bflag:$0x2] =	sbarrier.arrive $0xFFFF  }
0x85: {  	[sflag:s0] =	ssyncadd.tile.s32 @!p0 $0x1;
	_ =	shalt  }
.Lfunc_end2:
_tile_overlayer_lowered:
.L_overlay_start_2:
0x86: {  	(tag) =	ssettag $0x2  }
0x87: {  	s0 =	rddreg [dreg:$0x0];
	s2 =	stileid.u32  }
0x88: {  	s1 =	rddreg [dreg:$0x1];
	p0 =	sne.s32 s2, $0x0  }
0x89: {  	s3 =	rddreg [dreg:$0x2];
	[bflag:$0x3] =	sbarrier.arrive $0xFFFF;
	s2 =	simm.s32 @!p0 $0x1C02  }
0x8a: {  	[timem:s3], [sflag:s2] =	dma.local @!p0 [hbm:s0], s1  }
0x8b: {  	s0 =	simm.s32 @!p0 $0x2  }
0x8c: {  	_ =	swait.ge @!p0 [sflag:s0], s1  }
0x8d: {  	s1 =	ssub.s32 @!p0 $0x0, s1;
	[sflag:s0] =	ssyncset.done @!p0 $0x0  }
0x8e: {  	[sflag:s0] =	ssyncadd.s32 @!p0 s1  }
0x8f: {  	[bflag:$0x3] =	sbarrier.arrive $0xFFFF  }
0x90: {  	_ =	shalt  }

// kernel: kernel.14.cloned.1.call-start
scs
__scs_entry_jumppad:
0x0: {  	(pc) =	sbr.rel $0x88, $3  }
0x1: {  	(tag) =	ssettag $0x0;
	lr =	simm.s32 $0x1  }
0x2: {  	[smem:$0x3F93] =	sst lr;
	_ =	strace $0xD0000000  }
0x3: {  	_ = 	snop  }
0x4: {  	_ = 	snop  }
0x5: {  	_ = 	snop  }
0x6: {  	_ = 	snop  }
0x7: {  	_ = 	snop  }
__scs_overlays_trampoline_lowered:
0x8: {  	[smem:$0x3FA2] =	sst s0  }
0x9: {  	[smem:$0x3FA3] =	sst s1  }
0xa: {  	[smem:$0x3FA4] =	sst s2  }
0xb: {  	[smem:$0x3FA5] =	sst s3  }
0xc: {  	[smem:$0x3FA6] =	sst s4  }
0xd: {  	[smem:$0x3FA7] =	sst s5  }
0xe: {  	[smem:$0x3FA8] =	sst s6  }
0xf: {  	[smem:$0x3FA9] =	sst s7  }
0x10: {  	[smem:$0x3FAA] =	sst s8  }
0x11: {  	[smem:$0x3FAB] =	sst s9;
	s0 =	simm.s32 @!p0 $0x0  }
0x12: {  	s1 =	sld [smem:$0x3F91];
	s0 =	simm.s32 @p0 $0x1  }
0x13: {  	[smem:$0x3FAC] =	sst s0;
	s0 =	simm.s32 @!p1 $0x0  }
0x14: {  	s2 =	sld [smem:$0x3F90];
	s0 =	simm.s32 @p1 $0x1  }
0x15: {  	[smem:$0x3FAD] =	sst s0;
	s0 =	simm.s32 @!p2 $0x0  }
0x16: {  	s3 =	sld [smem:$0x3FDB];
	s0 =	simm.s32 @p2 $0x1  }
0x17: {  	s4 =	simm.s32 $0x1BF5;
	[smem:$0x3FAF] =	sst s0  }
0x18: {  	s0 =	sld [smem:$0x3F92];
	_ =	swait.ge [sflag:s4], $0x0  }
0x19: {  	s7 =	sld [smem:$0x3F93]  }
0x1a: {  	s8 =	sadd.s32 $0xFFFFE003, lr  }
0x1b: {  	s9 =	sadd.s32 $0xFFFFFEF7, lr;
	s5 =	simm.s32 $0xFFFFFFFF;
	p2 =	slt.u32 s8, $0xFFFFF086  }
0x1c: {  	p1 =	slt.u32 s9, $0xF7A;
	s5 =	simm.s32 @!p2 $0x0  }
0x1d: {  	s5 =	simm.s32 @p1 $0x1;
	p0 =	seq.s32 s7, s2  }
0x1e: {  	s7 =	smul.u32 @!p0 $0xF7A, s2;
	p2 =	seq.s32 @!p0 s5, $0x0  }
0x1f: {  	s9 =	smul.u32 $0xF7A, s1;
	s8 =	simm.s32 @!p0 $0x1BF5;
	p2 =	por !p2, p0  }
0x20: {  	[sflag:s8] =	ssyncset.s32 @!p0 $0xFFFFF086;
	s6 =	sadd.s32 @!p0 s3, s7;
	s7 =	simm.s32 @!p0 $0x108  }
0x21: {  	s3 =	sadd.s32 s3, s9;
	s6 =	sadd.s32 @!p0 $0x88, s6;
	s7 =	simm.s32 @p2 $0x1082  }
0x22: {  	[simem:s7], [sflag:s8] =	dma.local @!p0 [hbm:s6], $0xF7A  }
0x23: {  	s9 =	sor.u32 $0xD0000000, s2;
	s6 =	simm.s32 $0x108;
	_ =	swait.ge @!p0 [sflag:s8], $0x0  }
0x24: {  	s3 =	sadd.s32 $0x88, s3;
	s6 =	simm.s32 @!p1 $0x1082;
	[sflag:s4] =	ssyncset.s32 $0xFFFFF086  }
0x25: {  	[simem:s6], [sflag:s4] =	dma.local [hbm:s3], $0xF7A  }
0x26: {  	[smem:$0x3F93] =	sst s1;
	(tag) =	ssettag s2;
	_ =	strace s9  }
0x27: {  	s1 =	sld [smem:$0x3FA3]  }
0x28: {  	s2 =	sld [smem:$0x3FA4]  }
0x29: {  	s4 =	sld [smem:$0x3FA6]  }
0x2a: {  	p0 =	seq.s32 s5, $0x0;
	s5 =	sld [smem:$0x3FA7]  }
0x2b: {  	s6 =	sld [smem:$0x3FA8]  }
0x2c: {  	s7 =	sld [smem:$0x3FA9]  }
0x2d: {  	s3 =	simm.s32 $0x108;
	s8 =	sld [smem:$0x3FAA]  }
0x2e: {  	s3 =	simm.s32 @!p0 $0x1082;
	s9 =	sld [smem:$0x3FAB]  }
0x2f: {  	lr =	sadd.s32 s0, s3;
	s0 =	sld [smem:$0x3FA2]  }
0x30: {  	s3 =	sld [smem:$0x3FA5]  }
0x31: {  	[smem:$0x3FAE] =	sst s10  }
0x32: {  	s10 =	sld [smem:$0x3FAC];
	_ =	sdelay $0x3  }
0x33: {  	p0 =	seq.s32 s10, $0x1;
	s10 =	sld [smem:$0x3FAE];
	_ =	sdelay $0x3  }
0x34: {  	[smem:$0x3FAE] =	sst s10  }
0x35: {  	s10 =	sld [smem:$0x3FAD];
	_ =	sdelay $0x3  }
0x36: {  	p1 =	seq.s32 s10, $0x1;
	s10 =	sld [smem:$0x3FAE];
	_ =	sdelay $0x3  }
0x37: {  	[smem:$0x3FAE] =	sst s10  }
0x38: {  	s10 =	sld [smem:$0x3FAF]  }
0x39: {  	_ = 	snop;
	(pc) =	sbr.ind lr, $3  }
0x3a: {  	_ = 	snop  }
0x3b: {  	_ = 	snop  }
0x3c: {  	p2 =	seq.s32 s10, $0x1;
	s10 =	sld [smem:$0x3FAE]  }
0x3d: {  	_ =	shalt  }
0x3e: {  	_ =	shalt  }
0x3f: {  	_ =	shalt  }
0x40: {  	_ =	shalt  }
0x41: {  	_ =	shalt  }
0x42: {  	_ =	shalt  }
0x43: {  	_ =	shalt  }
0x44: {  	_ =	shalt  }
0x45: {  	_ =	shalt  }
0x46: {  	_ =	shalt  }
0x47: {  	_ =	shalt  }
0x48: {  	_ =	shalt  }
0x49: {  	_ =	shalt  }
0x4a: {  	_ =	shalt  }
0x4b: {  	_ =	shalt  }
0x4c: {  	_ =	shalt  }
0x4d: {  	_ =	shalt  }
0x4e: {  	_ =	shalt  }
0x4f: {  	_ =	shalt  }
0x50: {  	_ =	shalt  }
0x51: {  	_ =	shalt  }
0x52: {  	_ =	shalt  }
0x53: {  	_ =	shalt  }
0x54: {  	_ =	shalt  }
0x55: {  	_ =	shalt  }
0x56: {  	_ =	shalt  }
0x57: {  	_ =	shalt  }
0x58: {  	_ =	shalt  }
0x59: {  	_ =	shalt  }
0x5a: {  	_ =	shalt  }
0x5b: {  	_ =	shalt  }
0x5c: {  	_ =	shalt  }
0x5d: {  	_ =	shalt  }
0x5e: {  	_ =	shalt  }
0x5f: {  	_ =	shalt  }
0x60: {  	_ =	shalt  }
0x61: {  	_ =	shalt  }
0x62: {  	_ =	shalt  }
0x63: {  	_ =	shalt  }
0x64: {  	_ =	shalt  }
0x65: {  	_ =	shalt  }
0x66: {  	_ =	shalt  }
0x67: {  	_ =	shalt  }
0x68: {  	_ =	shalt  }
0x69: {  	_ =	shalt  }
0x6a: {  	_ =	shalt  }
0x6b: {  	_ =	shalt  }
0x6c: {  	_ =	shalt  }
0x6d: {  	_ =	shalt  }
0x6e: {  	_ =	shalt  }
0x6f: {  	_ =	shalt  }
0x70: {  	_ =	shalt  }
0x71: {  	_ =	shalt  }
0x72: {  	_ =	shalt  }
0x73: {  	_ =	shalt  }
0x74: {  	_ =	shalt  }
0x75: {  	_ =	shalt  }
0x76: {  	_ =	shalt  }
0x77: {  	_ =	shalt  }
0x78: {  	_ =	shalt  }
0x79: {  	_ =	shalt  }
0x7a: {  	_ =	shalt  }
0x7b: {  	_ =	shalt  }
0x7c: {  	_ =	shalt  }
0x7d: {  	_ =	shalt  }
0x7e: {  	_ =	shalt  }
0x7f: {  	_ =	shalt  }
0x80: {  	_ =	shalt  }
0x81: {  	_ =	shalt  }
0x82: {  	_ =	shalt  }
0x83: {  	_ =	shalt  }
0x84: {  	_ =	shalt  }
0x85: {  	_ =	shalt  }
0x86: {  	_ =	shalt  }
0x87: {  	_ =	shalt  }
.Lfunc_end0:
.L_simem_size_0:
called_computation.2_lowered:
.L_overlay_start_0:
0x88: {  	s2 =	sld [smem:$0x3FD9]  }
0x89: {  	s3 =	sld [smem:$0x3FFE];
	_ =	sdelay $0x1  }
0x8a: {  	s1 =	srdreg.scid  }
0x8b: {  	s0 =	sand.u32 $0x1, s1  }
0x8c: {  	s17 =	sshll.u32 s0, $0xA;
	s2 =	sadd.s32 s3, s2  }
0x8d: {  	s2 =	sadd.s32 s2, s17  }
0x8e: {  	[smem:$0x3FBA] =	sst s2  }
0x8f: {  	_ = 	snop  }
0x90: {  	s2 =	sld [smem:$0x3FC8]  }
0x91: {  	s18 =	sld [smem:$0x3FBE]  }
0x92: {  	s4 =	sld [smem:$0x3FBD]  }
0x93: {  	s5 =	sld [smem:$0x3FBC];
	(tm) =	ssettm $0x1  }
0x94: {  	s6 =	sld [smem:$0x3FFB];
	_ =	sdelay $0x3  }
0x95: {  	_ =	strace s6  }
0x96: {  	s6 =	sld [smem:$0x3FFC];
	_ =	sdelay $0x3  }
0x97: {  	_ =	strace s6  }
0x98: {  	s6 =	sld [smem:$0x3FFD];
	_ =	sdelay $0x3  }
0x99: {  	_ =	strace s6  }
0x9a: {  	_ =	strace $0x8FFFFFFF  }
0x9b: {  	s19 =	sld [smem:$0x3FDB];
	_ =	sdelay $0x1  }
0x9c: {  	s7 =	simm.s32 $_scs_section_size  }
0x9d: {  	s8 =	simm.s32 $_size__tile_overlayer_lowered;
	s9 =	simm.s32 $_tile_overlayer_lowered  }
0x9e: {  	s22 =	simm.s32 $0x1BFF;
	s21 =	sshll.u32 s9, $0x1;
	s6 =	sadd.s32 s7, s19  }
0x9f: {  	s10 =	simm.s32 $0x0;
	s20 =	sshll.u32 s8, $0x1;
	s8 =	sadd.s32 s21, s6  }
0xa0: {  	[timem:s10], [sflag:s22] =	dma.local [hbm:s8], s20  }
0xa1: {  	_ =	swait.ge [sflag:s22], s20  }
0xa2: {  	s7 =	ssub.s32 $0x0, s20;
	[sflag:s22] =	ssyncset.done $0x0  }
0xa3: {  	[sflag:s22] =	ssyncadd.s32 s7;
	_ =	sdelay $0x1  }
0xa4: {  	s23 =	simm.s32 $0x1B8B  }
0xa5: {  	_ =	swait.ge [sflag:s23], $0x1  }
0xa6: {  	[sflag:s23] =	ssyncset.done $0x0  }
0xa7: {  	s25 =	simm.s32 $0x1B8E;
	s24 =	sld [smem:$0x3FFE];
	[sflag:s23] =	ssyncadd.s32 $0xFFFFFFFF  }
0xa8: {  	s26 =	simm.s32 $execute0_lowered;
	[smem:$0x3FD2] =	sst s25  }
0xa9: {  	s8 =	sshll.u32 s26, $0x1;
	_ =	strace $0x8000004C;
	[dreg:$0x1] =	wrdreg $0xFFFFFFFF  }
0xaa: {  	s28 =	simm.s32 $_size_execute0_lowered;
	s6 =	sadd.s32 s6, s8;
	[dreg:$0x0] =	wrdreg $0x0  }
0xab: {  	s8 =	sshll.u32 s28, $0x1;
	[dreg:$0x2] =	wrdreg s6  }
0xac: {  	[dreg:$0x3] =	wrdreg s8  }
0xad: {  	[dreg:$0x4] =	wrdreg $0xC0  }
0xae: {  	_ =	task [dreg:s10], $0x5FFFF  }
0xaf: {  	[dreg:$0x1] =	wrdreg $0xFFFFFFFF  }
0xb0: {  	[dreg:$0x0] =	wrdreg $0x60  }
0xb1: {  	[dreg:$0x2] =	wrdreg s24  }
0xb2: {  	[dreg:$0x3] =	wrdreg s2  }
0xb3: {  	[dreg:$0x4] =	wrdreg s18  }
0xb4: {  	[dreg:$0x5] =	wrdreg s4  }
0xb5: {  	[dreg:$0x6] =	wrdreg s5  }
0xb6: {  	[dreg:$0x7] =	wrdreg $0x9  }
0xb7: {  	_ =	task.clear_ibuf [dreg:s10], $0x8FFFF;
	_ =	strace $0x9000004C  }
0xb8: {  	s29 =	simm.s32 $0x9;
	_ =	strace $0x8000004E  }
0xb9: {  	_ =	swait.ge [sflag:s29], $0x1  }
0xba: {  	[sflag:s29] =	ssyncadd.s32 $0xFFFFFFFF  }
0xbb: {  	_ =	strace $0x9000004E  }
0xbc: {  	_ =	sfence  }
0xbd: {  	s30 =	sld [smem:$0x0];
	_ =	sdelay $0x2  }
0xbe: {  	s31 =	sshll.u32 s1, $0xD;
	s1 =	sshrl.u32 s1, $0x2  }
0xbf: {  	s3 =	sand.u32 $0x4000, s31;
	s1 =	sadd.s32 s1, s30  }
0xc0: {  	s0 =	sor.u32 s3, s0;
	s1 =	sshll.u32 s1, $0x11  }
0xc1: {  	s0 =	sor.u32 s1, s0  }
0xc2: {  	s0 =	sadd.s32 $0x8F2B, s0  }
0xc3: {  	[sflag:s0] =	ssyncadd.remote.s32 $0x1  }
0xc4: {  	_ =	sfence.sel $0xFFFF  }
0xc5: {  	[dreg:$0x0] =	wrdreg $0xFFFFFFFF;
	(pc) =	sbr.abs _section_cstart, $3  }
0xc6: {  	[dreg:$0x1] =	wrdreg $0xFFFFFFFF  }
0xc7: {  	_ =	task.clear_ibuf [dreg:s10], $0x2FFFF;
	_ =	strace $0x9FFFFFFF  }
0xc8: {  	(tm) =	ssettm $0x7FFFFFFF  }
0xc9: {  	_ =	shalt  }
tec
execute0_lowered:
.L_overlay_start_1:
0x0: {  	(tag) =	ssettag $0x1  }
0x1: {  	s3 =	rddreg [dreg:$0x0]  }
0x2: {  	s1 =	rddreg [dreg:$0x1]  }
0x3: {  	s11 =	rddreg [dreg:$0x2]  }
0x4: {  	s10 =	rddreg [dreg:$0x3]  }
0x5: {  	s9 =	rddreg [dreg:$0x4]  }
0x6: {  	s0 =	rddreg [dreg:$0x5];
	s2 =	simm.s32 $0x0;
	s4 =	srdreg.scid  }
0x7: {  	s14 =	simm.s32 $0x1;
	s15 =	simm.s32 $0x0;
	[smem:$0x7FF] =	sst s2  }
0x8: {  	s5 =	sand.u32 $0x1, s4;
	s4 =	sadd.s32 $0x2E00, s3;
	_ =	strace $0x8000004D  }
0x9: {  	s6 =	sshll.u32 s5, $0x11;
	s7 =	ssub.s32 $0x2, s5;
	s5 =	sshll.u32 s5, $0xD  }
0xa: {  	s6 =	sadd.s32 s6, s3;
	s3 =	stileid.u32;
	s8 =	sshrl.u32 s7, $0x1  }
0xb: {  	s12 =	sshll.u32 s3, $0x9;
	s13 =	sshll.u32 s3, $0xD;
	s7 =	ssub.s32 s7, s8  }
0xc: {  	s31 =	sadd.s32 s13, s6;
	s12 =	sor.u32 s12, s5;
	s5 =	smax.u32 s7, $0x1  }
0xd: {  	s13 =	simm.s32 $0x80;
	s6 =	sadd.s32 $0x2A000, s31;
	s12 =	sshrl.u32 s12, $0x3  }
0xe: {  	s7 =	sadd.s32 $0x6A000, s31;
	s8 =	sadd.s32 $0xAA000, s31;
	s9 =	sadd.s32 s12, s9  }
0xf: {  	s10 =	sadd.s32 s12, s10;
	s11 =	sadd.s32 s12, s11;
	s12 =	simm.s32 $0x2  }
.LBB2_1:
0x10: {  	[tilespmem:s2], [sflag:$0x2] =	stream.linear.gather [hbm4b:s11+s2], $0x80, $0x38;
	[tilespmem:$0x4080] =	vst v63  }
0x11: {  	_ =	swait.ge [sflag:s12], $0x80  }
0x12: {  	[sflag:s12] =	ssyncset.done $0x0  }
0x13: {  	[sflag:s12] =	ssyncadd.s32 $0xFFFFFF80  }
0x14: {  	[tilespmem:s13], [sflag:$0x1] =	stream.indirect.gather [hbm4b:s4+s13], $0x80, s2, s13, $0xb8;
	[tilespmem:$0x4080] =	vst v63  }
0x15: {  	_ =	swait.ge [sflag:s14], $0x4000  }
0x16: {  	[sflag:s14] =	ssyncset.done $0x0  }
0x17: {  	s16 =	sadd.s32 $0x0, s6;
	[sflag:s14] =	ssyncadd.s32 $0xFFFFC000  }
0x18: {  	[hbm4b:s16+s2] =	stream.linear.scatter [tilespmem:s13], [sflag:$0x2], $0x4000, $0x38;
	[tilespmem:$0x4080] =	vst v63  }
0x19: {  	_ =	swait.ge [sflag:s12], $0x4000  }
0x1a: {  	[sflag:s12] =	ssyncset.done $0x0  }
0x1b: {  	[sflag:s12] =	ssyncadd.s32 $0xFFFFC000  }
0x1c: {  	[tilespmem:s2], [sflag:$0x2] =	stream.linear.gather [hbm4b:s10+s2], $0x80, $0x38;
	[tilespmem:$0x4080] =	vst v63  }
0x1d: {  	_ =	swait.ge [sflag:s12], $0x80  }
0x1e: {  	[sflag:s12] =	ssyncset.done $0x0  }
0x1f: {  	[sflag:s12] =	ssyncadd.s32 $0xFFFFFF80  }
0x20: {  	[tilespmem:s13], [sflag:$0x1] =	stream.indirect.gather [hbm4b:s1+s13], $0x80, s2, s13, $0xb8;
	[tilespmem:$0x4080] =	vst v63  }
0x21: {  	_ =	swait.ge [sflag:s14], $0x4000  }
0x22: {  	[sflag:s14] =	ssyncset.done $0x0  }
0x23: {  	s30 =	sadd.s32 $0x0, s7;
	[sflag:s14] =	ssyncadd.s32 $0xFFFFC000  }
0x24: {  	[hbm4b:s30+s2] =	stream.linear.scatter [tilespmem:s13], [sflag:$0x2], $0x4000, $0x38;
	[tilespmem:$0x4080] =	vst v63  }
0x25: {  	_ =	swait.ge [sflag:s12], $0x4000  }
0x26: {  	[sflag:s12] =	ssyncset.done $0x0  }
0x27: {  	[sflag:s12] =	ssyncadd.s32 $0xFFFFC000  }
0x28: {  	[tilespmem:s2], [sflag:$0x2] =	stream.linear.gather [hbm4b:s9+s2], $0x80, $0x38;
	[tilespmem:$0x4080] =	vst v63  }
0x29: {  	_ =	swait.ge [sflag:s12], $0x80  }
0x2a: {  	[sflag:s12] =	ssyncset.done $0x0  }
0x2b: {  	[sflag:s12] =	ssyncadd.s32 $0xFFFFFF80  }
0x2c: {  	[tilespmem:s13], [sflag:$0x1] =	stream.indirect.gather [hbm4b:s4+s13], $0x80, s2, s13, $0xb8;
	[tilespmem:$0x4080] =	vst v63  }
0x2d: {  	_ =	swait.ge [sflag:s14], $0x4000  }
0x2e: {  	[sflag:s14] =	ssyncset.done $0x0  }
0x2f: {  	s31 =	sadd.s32 $0x0, s8;
	[sflag:s14] =	ssyncadd.s32 $0xFFFFC000  }
0x30: {  	[hbm4b:s31+s2] =	stream.linear.scatter [tilespmem:s13], [sflag:$0x2], $0x4000, $0x38;
	[tilespmem:$0x4080] =	vst v63  }
0x31: {  	s17 =	sadd.s32 $0x10, s11;
	s18 =	smov.u32 s9;
	_ =	swait.ge [sflag:s12], $0x4000  }
0x32: {  	s19 =	smov.u32 s10;
	s16 =	simm.s32 $0x800;
	[sflag:s12] =	ssyncset.done $0x0  }
.LBB2_2:
0x33: {  	[sflag:s12] =	ssyncadd.s32 $0xFFFFC000  }
0x34: {  	s18 =	sadd.s32 $0x10, s18;
	s19 =	sadd.s32 $0x10, s19;
	s20 =	smov.u32 s16  }
0x35: {  	[tilespmem:s2], [sflag:$0x2] =	stream.linear.gather [hbm4b:s17+s2], $0x80, $0x38;
	[tilespmem:$0x4080] =	vst v63  }
0x36: {  	p0 =	sne.s32 s16, $0x1800;
	s16 =	sadd.s32 $0x800, s16;
	_ =	swait.ge [sflag:s12], $0x80  }
0x37: {  	[sflag:s12] =	ssyncset.done $0x0  }
0x38: {  	[sflag:s12] =	ssyncadd.s32 $0xFFFFFF80  }
0x39: {  	[tilespmem:s13], [sflag:$0x1] =	stream.indirect.gather [hbm4b:s4+s13], $0x80, s2, s13, $0xb8;
	[tilespmem:$0x4080] =	vst v63  }
0x3a: {  	_ =	swait.ge [sflag:s14], $0x4000  }
0x3b: {  	[sflag:s14] =	ssyncset.done $0x0  }
0x3c: {  	s21 =	sadd.s32 s20, s6;
	[sflag:s14] =	ssyncadd.s32 $0xFFFFC000  }
0x3d: {  	[hbm4b:s21+s2] =	stream.linear.scatter [tilespmem:s13], [sflag:$0x2], $0x4000, $0x38;
	[tilespmem:$0x4080] =	vst v63  }
0x3e: {  	_ =	swait.ge [sflag:s12], $0x4000  }
0x3f: {  	[sflag:s12] =	ssyncset.done $0x0  }
0x40: {  	[sflag:s12] =	ssyncadd.s32 $0xFFFFC000  }
0x41: {  	[tilespmem:s2], [sflag:$0x2] =	stream.linear.gather [hbm4b:s19+s2], $0x80, $0x38;
	[tilespmem:$0x4080] =	vst v63  }
0x42: {  	_ =	swait.ge [sflag:s12], $0x80  }
0x43: {  	[sflag:s12] =	ssyncset.done $0x0  }
0x44: {  	[sflag:s12] =	ssyncadd.s32 $0xFFFFFF80  }
0x45: {  	[tilespmem:s13], [sflag:$0x1] =	stream.indirect.gather [hbm4b:s1+s13], $0x80, s2, s13, $0xb8;
	[tilespmem:$0x4080] =	vst v63  }
0x46: {  	_ =	swait.ge [sflag:s14], $0x4000  }
0x47: {  	[sflag:s14] =	ssyncset.done $0x0  }
0x48: {  	s21 =	sadd.s32 s20, s7;
	[sflag:s14] =	ssyncadd.s32 $0xFFFFC000  }
0x49: {  	[hbm4b:s21+s2] =	stream.linear.scatter [tilespmem:s13], [sflag:$0x2], $0x4000, $0x38;
	[tilespmem:$0x4080] =	vst v63  }
0x4a: {  	_ =	swait.ge [sflag:s12], $0x4000  }
0x4b: {  	[sflag:s12] =	ssyncset.done $0x0  }
0x4c: {  	[sflag:s12] =	ssyncadd.s32 $0xFFFFC000  }
0x4d: {  	[tilespmem:s2], [sflag:$0x2] =	stream.linear.gather [hbm4b:s18+s2], $0x80, $0x38;
	[tilespmem:$0x4080] =	vst v63  }
0x4e: {  	_ =	swait.ge [sflag:s12], $0x80  }
0x4f: {  	[sflag:s12] =	ssyncset.done $0x0  }
0x50: {  	[sflag:s12] =	ssyncadd.s32 $0xFFFFFF80  }
0x51: {  	[tilespmem:s13], [sflag:$0x1] =	stream.indirect.gather [hbm4b:s4+s13], $0x80, s2, s13, $0xb8;
	[tilespmem:$0x4080] =	vst v63  }
0x52: {  	_ =	swait.ge [sflag:s14], $0x4000  }
.Ltmp0:
0x53: {  	[sflag:s14] =	ssyncset.done $0x0;
	(pc) =	sbr.rel @p0 .LBB2_2-.Ltmp0, $4  }
0x54: {  	s20 =	sadd.s32 s20, s8;
	[sflag:s14] =	ssyncadd.s32 $0xFFFFC000  }
0x55: {  	[hbm4b:s20+s2] =	stream.linear.scatter [tilespmem:s13], [sflag:$0x2], $0x4000, $0x38;
	[tilespmem:$0x4080] =	vst v63  }
0x56: {  	_ =	swait.ge [sflag:s12], $0x4000  }
0x57: {  	s17 =	sadd.s32 $0x10, s17;
	[sflag:s12] =	ssyncset.done $0x0  }
0x58: {  	s15 =	sadd.s32 $0x1, s15  }
0x59: {  	p0 =	sne.s32 s15, s5  }
.Ltmp1:
0x5a: {  	_ = 	snop;
	(pc) =	sbr.rel @p0 .LBB2_1-.Ltmp1, $2  }
0x5b: {  	_ =	sdelay $0x2  }
0x5c: {  	[sflag:s12] =	ssyncadd.s32 $0xFFFFC000  }
0x5d: {  	_ =	sfence.sel $0x180000  }
0x5e: {  	[bflag:$0x0] =	sbarrier.arrive $0xFFFF  }
0x5f: {  	p0 =	sne.s32 s3, $0x0;
	_ =	strace $0x9000004D  }
0x60: {  	s0 =	sadd.s32 @!p0 $0x100000, s0;
	[bflag:$0x2] =	sbarrier.arrive $0xFFFF  }
0x61: {  	[sflag:s0] =	ssyncadd.tile.s32 @!p0 $0x1;
	_ =	shalt  }
.Lfunc_end2:
_tile_overlayer_lowered:
.L_overlay_start_2:
0x62: {  	(tag) =	ssettag $0x2  }
0x63: {  	s0 =	rddreg [dreg:$0x0];
	s2 =	stileid.u32  }
0x64: {  	s1 =	rddreg [dreg:$0x1];
	p0 =	sne.s32 s2, $0x0  }
0x65: {  	s3 =	rddreg [dreg:$0x2];
	[bflag:$0x3] =	sbarrier.arrive $0xFFFF;
	s2 =	simm.s32 @!p0 $0x1C02  }
0x66: {  	[timem:s3], [sflag:s2] =	dma.local @!p0 [hbm:s0], s1  }
0x67: {  	s0 =	simm.s32 @!p0 $0x2  }
0x68: {  	_ =	swait.ge @!p0 [sflag:s0], s1  }
0x69: {  	s1 =	ssub.s32 @!p0 $0x0, s1;
	[sflag:s0] =	ssyncset.done @!p0 $0x0  }
0x6a: {  	[sflag:s0] =	ssyncadd.s32 @!p0 s1  }
0x6b: {  	[bflag:$0x3] =	sbarrier.arrive $0xFFFF  }
0x6c: {  	_ =	shalt  }

// kernel: kernel.8.cloned.1.call-start
scs
__scs_entry_jumppad:
0x0: {  	(pc) =	sbr.rel $0x88, $3  }
0x1: {  	(tag) =	ssettag $0x0;
	lr =	simm.s32 $0x1  }
0x2: {  	[smem:$0x3F93] =	sst lr;
	_ =	strace $0xD0000000  }
0x3: {  	_ = 	snop  }
0x4: {  	_ = 	snop  }
0x5: {  	_ = 	snop  }
0x6: {  	_ = 	snop  }
0x7: {  	_ = 	snop  }
__scs_overlays_trampoline_lowered:
0x8: {  	[smem:$0x3FA2] =	sst s0  }
0x9: {  	[smem:$0x3FA3] =	sst s1  }
0xa: {  	[smem:$0x3FA4] =	sst s2  }
0xb: {  	[smem:$0x3FA5] =	sst s3  }
0xc: {  	[smem:$0x3FA6] =	sst s4  }
0xd: {  	[smem:$0x3FA7] =	sst s5  }
0xe: {  	[smem:$0x3FA8] =	sst s6  }
0xf: {  	[smem:$0x3FA9] =	sst s7  }
0x10: {  	[smem:$0x3FAA] =	sst s8  }
0x11: {  	[smem:$0x3FAB] =	sst s9;
	s0 =	simm.s32 @!p0 $0x0  }
0x12: {  	s1 =	sld [smem:$0x3F91];
	s0 =	simm.s32 @p0 $0x1  }
0x13: {  	[smem:$0x3FAC] =	sst s0;
	s0 =	simm.s32 @!p1 $0x0  }
0x14: {  	s2 =	sld [smem:$0x3F90];
	s0 =	simm.s32 @p1 $0x1  }
0x15: {  	[smem:$0x3FAD] =	sst s0;
	s0 =	simm.s32 @!p2 $0x0  }
0x16: {  	s3 =	sld [smem:$0x3FDB];
	s0 =	simm.s32 @p2 $0x1  }
0x17: {  	s4 =	simm.s32 $0x1BF5;
	[smem:$0x3FAF] =	sst s0  }
0x18: {  	s0 =	sld [smem:$0x3F92];
	_ =	swait.ge [sflag:s4], $0x0  }
0x19: {  	s7 =	sld [smem:$0x3F93]  }
0x1a: {  	s8 =	sadd.s32 $0xFFFFE003, lr  }
0x1b: {  	s9 =	sadd.s32 $0xFFFFFEF7, lr;
	s5 =	simm.s32 $0xFFFFFFFF;
	p2 =	slt.u32 s8, $0xFFFFF086  }
0x1c: {  	p1 =	slt.u32 s9, $0xF7A;
	s5 =	simm.s32 @!p2 $0x0  }
0x1d: {  	s5 =	simm.s32 @p1 $0x1;
	p0 =	seq.s32 s7, s2  }
0x1e: {  	s7 =	smul.u32 @!p0 $0xF7A, s2;
	p2 =	seq.s32 @!p0 s5, $0x0  }
0x1f: {  	s9 =	smul.u32 $0xF7A, s1;
	s8 =	simm.s32 @!p0 $0x1BF5;
	p2 =	por !p2, p0  }
0x20: {  	[sflag:s8] =	ssyncset.s32 @!p0 $0xFFFFF086;
	s6 =	sadd.s32 @!p0 s3, s7;
	s7 =	simm.s32 @!p0 $0x108  }
0x21: {  	s3 =	sadd.s32 s3, s9;
	s6 =	sadd.s32 @!p0 $0x88, s6;
	s7 =	simm.s32 @p2 $0x1082  }
0x22: {  	[simem:s7], [sflag:s8] =	dma.local @!p0 [hbm:s6], $0xF7A  }
0x23: {  	s9 =	sor.u32 $0xD0000000, s2;
	s6 =	simm.s32 $0x108;
	_ =	swait.ge @!p0 [sflag:s8], $0x0  }
0x24: {  	s3 =	sadd.s32 $0x88, s3;
	s6 =	simm.s32 @!p1 $0x1082;
	[sflag:s4] =	ssyncset.s32 $0xFFFFF086  }
0x25: {  	[simem:s6], [sflag:s4] =	dma.local [hbm:s3], $0xF7A  }
0x26: {  	[smem:$0x3F93] =	sst s1;
	(tag) =	ssettag s2;
	_ =	strace s9  }
0x27: {  	s1 =	sld [smem:$0x3FA3]  }
0x28: {  	s2 =	sld [smem:$0x3FA4]  }
0x29: {  	s4 =	sld [smem:$0x3FA6]  }
0x2a: {  	p0 =	seq.s32 s5, $0x0;
	s5 =	sld [smem:$0x3FA7]  }
0x2b: {  	s6 =	sld [smem:$0x3FA8]  }
0x2c: {  	s7 =	sld [smem:$0x3FA9]  }
0x2d: {  	s3 =	simm.s32 $0x108;
	s8 =	sld [smem:$0x3FAA]  }
0x2e: {  	s3 =	simm.s32 @!p0 $0x1082;
	s9 =	sld [smem:$0x3FAB]  }
0x2f: {  	lr =	sadd.s32 s0, s3;
	s0 =	sld [smem:$0x3FA2]  }
0x30: {  	s3 =	sld [smem:$0x3FA5]  }
0x31: {  	[smem:$0x3FAE] =	sst s10  }
0x32: {  	s10 =	sld [smem:$0x3FAC];
	_ =	sdelay $0x3  }
0x33: {  	p0 =	seq.s32 s10, $0x1;
	s10 =	sld [smem:$0x3FAE];
	_ =	sdelay $0x3  }
0x34: {  	[smem:$0x3FAE] =	sst s10  }
0x35: {  	s10 =	sld [smem:$0x3FAD];
	_ =	sdelay $0x3  }
0x36: {  	p1 =	seq.s32 s10, $0x1;
	s10 =	sld [smem:$0x3FAE];
	_ =	sdelay $0x3  }
0x37: {  	[smem:$0x3FAE] =	sst s10  }
0x38: {  	s10 =	sld [smem:$0x3FAF]  }
0x39: {  	_ = 	snop;
	(pc) =	sbr.ind lr, $3  }
0x3a: {  	_ = 	snop  }
0x3b: {  	_ = 	snop  }
0x3c: {  	p2 =	seq.s32 s10, $0x1;
	s10 =	sld [smem:$0x3FAE]  }
0x3d: {  	_ =	shalt  }
0x3e: {  	_ =	shalt  }
0x3f: {  	_ =	shalt  }
0x40: {  	_ =	shalt  }
0x41: {  	_ =	shalt  }
0x42: {  	_ =	shalt  }
0x43: {  	_ =	shalt  }
0x44: {  	_ =	shalt  }
0x45: {  	_ =	shalt  }
0x46: {  	_ =	shalt  }
0x47: {  	_ =	shalt  }
0x48: {  	_ =	shalt  }
0x49: {  	_ =	shalt  }
0x4a: {  	_ =	shalt  }
0x4b: {  	_ =	shalt  }
0x4c: {  	_ =	shalt  }
0x4d: {  	_ =	shalt  }
0x4e: {  	_ =	shalt  }
0x4f: {  	_ =	shalt  }
0x50: {  	_ =	shalt  }
0x51: {  	_ =	shalt  }
0x52: {  	_ =	shalt  }
0x53: {  	_ =	shalt  }
0x54: {  	_ =	shalt  }
0x55: {  	_ =	shalt  }
0x56: {  	_ =	shalt  }
0x57: {  	_ =	shalt  }
0x58: {  	_ =	shalt  }
0x59: {  	_ =	shalt  }
0x5a: {  	_ =	shalt  }
0x5b: {  	_ =	shalt  }
0x5c: {  	_ =	shalt  }
0x5d: {  	_ =	shalt  }
0x5e: {  	_ =	shalt  }
0x5f: {  	_ =	shalt  }
0x60: {  	_ =	shalt  }
0x61: {  	_ =	shalt  }
0x62: {  	_ =	shalt  }
0x63: {  	_ =	shalt  }
0x64: {  	_ =	shalt  }
0x65: {  	_ =	shalt  }
0x66: {  	_ =	shalt  }
0x67: {  	_ =	shalt  }
0x68: {  	_ =	shalt  }
0x69: {  	_ =	shalt  }
0x6a: {  	_ =	shalt  }
0x6b: {  	_ =	shalt  }
0x6c: {  	_ =	shalt  }
0x6d: {  	_ =	shalt  }
0x6e: {  	_ =	shalt  }
0x6f: {  	_ =	shalt  }
0x70: {  	_ =	shalt  }
0x71: {  	_ =	shalt  }
0x72: {  	_ =	shalt  }
0x73: {  	_ =	shalt  }
0x74: {  	_ =	shalt  }
0x75: {  	_ =	shalt  }
0x76: {  	_ =	shalt  }
0x77: {  	_ =	shalt  }
0x78: {  	_ =	shalt  }
0x79: {  	_ =	shalt  }
0x7a: {  	_ =	shalt  }
0x7b: {  	_ =	shalt  }
0x7c: {  	_ =	shalt  }
0x7d: {  	_ =	shalt  }
0x7e: {  	_ =	shalt  }
0x7f: {  	_ =	shalt  }
0x80: {  	_ =	shalt  }
0x81: {  	_ =	shalt  }
0x82: {  	_ =	shalt  }
0x83: {  	_ =	shalt  }
0x84: {  	_ =	shalt  }
0x85: {  	_ =	shalt  }
0x86: {  	_ =	shalt  }
0x87: {  	_ =	shalt  }
.Lfunc_end0:
.L_simem_size_0:
called_computation_lowered:
.L_overlay_start_0:
0x88: {  	s2 =	sld [smem:$0x3FD9]  }
0x89: {  	s3 =	sld [smem:$0x3FFE];
	_ =	sdelay $0x1  }
0x8a: {  	s1 =	srdreg.scid  }
0x8b: {  	s0 =	sand.u32 $0x1, s1  }
0x8c: {  	s17 =	sshll.u32 s0, $0xA;
	s2 =	sadd.s32 s3, s2  }
0x8d: {  	s2 =	sadd.s32 s2, s17  }
0x8e: {  	[smem:$0x3FBA] =	sst s2  }
0x8f: {  	_ = 	snop  }
0x90: {  	s2 =	sld [smem:$0x3FC9];
	(tm) =	ssettm $0x1  }
0x91: {  	s18 =	sld [smem:$0x3FFB];
	_ =	sdelay $0x3  }
0x92: {  	_ =	strace s18  }
0x93: {  	s3 =	sld [smem:$0x3FFC];
	_ =	sdelay $0x3  }
0x94: {  	_ =	strace s3  }
0x95: {  	s3 =	sld [smem:$0x3FFD];
	_ =	sdelay $0x3  }
0x96: {  	_ =	strace s3  }
0x97: {  	_ =	strace $0x8FFFFFFF  }
0x98: {  	s19 =	sld [smem:$0x3FDB];
	_ =	sdelay $0x1  }
0x99: {  	s4 =	simm.s32 $_scs_section_size  }
0x9a: {  	s5 =	simm.s32 $_size__tile_overlayer_lowered;
	s6 =	simm.s32 $_tile_overlayer_lowered  }
0x9b: {  	s22 =	simm.s32 $0x1BFF;
	s21 =	sshll.u32 s6, $0x1;
	s3 =	sadd.s32 s4, s19  }
0x9c: {  	s7 =	simm.s32 $0x0;
	s20 =	sshll.u32 s5, $0x1;
	s5 =	sadd.s32 s21, s3  }
0x9d: {  	[timem:s7], [sflag:s22] =	dma.local [hbm:s5], s20  }
0x9e: {  	_ =	swait.ge [sflag:s22], s20  }
0x9f: {  	s4 =	ssub.s32 $0x0, s20;
	[sflag:s22] =	ssyncset.done $0x0  }
0xa0: {  	[sflag:s22] =	ssyncadd.s32 s4;
	_ =	sdelay $0x1  }
0xa1: {  	s23 =	simm.s32 $0x1B8B  }
0xa2: {  	_ =	swait.ge [sflag:s23], $0x1  }
0xa3: {  	[sflag:s23] =	ssyncset.done $0x0  }
0xa4: {  	s25 =	simm.s32 $0x1B8E;
	s24 =	sld [smem:$0x3FFE];
	[sflag:s23] =	ssyncadd.s32 $0xFFFFFFFF  }
0xa5: {  	s26 =	simm.s32 $execute0_lowered;
	[smem:$0x3FD2] =	sst s25  }
0xa6: {  	s5 =	sshll.u32 s26, $0x1;
	_ =	strace $0x80000046;
	[dreg:$0x1] =	wrdreg $0xFFFFFFFF  }
0xa7: {  	s28 =	simm.s32 $_size_execute0_lowered;
	s3 =	sadd.s32 s3, s5;
	[dreg:$0x0] =	wrdreg $0x0  }
0xa8: {  	s5 =	sshll.u32 s28, $0x1;
	[dreg:$0x2] =	wrdreg s3  }
0xa9: {  	[dreg:$0x3] =	wrdreg s5  }
0xaa: {  	[dreg:$0x4] =	wrdreg $0xC0  }
0xab: {  	_ =	task [dreg:s7], $0x5FFFF  }
0xac: {  	[dreg:$0x1] =	wrdreg $0xFFFFFFFF  }
0xad: {  	[dreg:$0x0] =	wrdreg $0x60  }
0xae: {  	[dreg:$0x2] =	wrdreg s2  }
0xaf: {  	[dreg:$0x3] =	wrdreg s24  }
0xb0: {  	[dreg:$0x4] =	wrdreg $0x29800  }
0xb1: {  	[dreg:$0x5] =	wrdreg $0x9  }
0xb2: {  	_ =	task.clear_ibuf [dreg:s7], $0x6FFFF;
	_ =	strace $0x90000046  }
0xb3: {  	s29 =	simm.s32 $0x9;
	_ =	strace $0x80000048  }
0xb4: {  	_ =	swait.ge [sflag:s29], $0x1  }
0xb5: {  	[sflag:s29] =	ssyncadd.s32 $0xFFFFFFFF  }
0xb6: {  	_ =	strace $0x90000048  }
0xb7: {  	_ =	sfence  }
0xb8: {  	s30 =	sld [smem:$0x0];
	_ =	sdelay $0x2  }
0xb9: {  	s31 =	sshll.u32 s1, $0xD;
	s1 =	sshrl.u32 s1, $0x2  }
0xba: {  	s3 =	sand.u32 $0x4000, s31;
	s1 =	sadd.s32 s1, s30  }
0xbb: {  	s0 =	sor.u32 s3, s0;
	s1 =	sshll.u32 s1, $0x11  }
0xbc: {  	s0 =	sor.u32 s1, s0  }
0xbd: {  	s0 =	sadd.s32 $0x8F2B, s0  }
0xbe: {  	[sflag:s0] =	ssyncadd.remote.s32 $0x1  }
0xbf: {  	_ =	sfence.sel $0xFFFF  }
0xc0: {  	[dreg:$0x0] =	wrdreg $0xFFFFFFFF;
	(pc) =	sbr.abs _section_cstart, $3  }
0xc1: {  	[dreg:$0x1] =	wrdreg $0xFFFFFFFF  }
0xc2: {  	_ =	task.clear_ibuf [dreg:s7], $0x2FFFF;
	_ =	strace $0x9FFFFFFF  }
0xc3: {  	(tm) =	ssettm $0x7FFFFFFF  }
tec
execute0_lowered:
.L_overlay_start_1:
0x0: {  	(tag) =	ssettag $0x1  }
0x1: {  	s1 =	rddreg [dreg:$0x0]  }
0x2: {  	s5 =	rddreg [dreg:$0x1]  }
0x3: {  	s3 =	rddreg [dreg:$0x2]  }
0x4: {  	s0 =	srdreg.scid;
	s2 =	rddreg [dreg:$0x3];
	s4 =	simm.s32 $0x0  }
0x5: {  	s11 =	simm.s32 $0x50;
	s12 =	simm.s32 $0x100;
	s6 =	sand.u32 $0x1, s0  }
0x6: {  	s13 =	simm.s32 $0x180;
	s0 =	stileid.u32;
	s7 =	smul.u32 $0x27100, s6  }
0x7: {  	s14 =	simm.s32 $0x2;
	s15 =	simm.s32 $0x80;
	s8 =	smul.u32 $0x2710, s0  }
0x8: {  	s16 =	simm.s32 $0x1;
	s17 =	simm.s32 $0x0;
	s9 =	smul.u32 $0x140000, s6  }
0x9: {  	[smem:$0x7FF] =	sst s4;
	s10 =	smul.u32 $0x14000, s0;
	s6 =	ssub.s32 $0x2, s6  }
0xa: {  	_ =	strace $0x80000047;
	s30 =	sshrl.u32 s6, $0x1;
	s7 =	sadd.s32 s8, s7  }
0xb: {  	s26 =	sadd.s32 s10, s9;
	s6 =	ssub.s32 s6, s30;
	s7 =	sshrl.u32 s7, $0x3  }
0xc: {  	s29 =	sshrl.u32 s26, $0x3;
	s6 =	smax.u32 s6, $0x1;
	s28 =	sadd.s32 s7, s5  }
0xd: {  	s31 =	sadd.s32 s29, s5;
	s5 =	smul.u32 $0x280, s0;
	s7 =	sadd.s32 $0xCC00, s28  }
0xe: {  	v0 =	vimm.f32 $0.0e+00;
	v1 =	vlaneseq.u32;
	v2 =	vimm.f32 $1.000000000e+00;
	s8 =	sadd.s32 $0x2E00, s28;
	s9 =	sadd.s32 $0x16A00, s31;
	s10 =	sadd.s32 $0x66A00, s31  }
.LBB2_1:
0xf: {  	s18 =	simm.s32 $0x0;
	s19 =	simm.s32 $0x200  }
.LBB2_2:
0x10: {  	p0 =	sne.s32 s19, $0x9E00;
	[tilespmem:s18+$0x1F0] =	vst v0  }
0x11: {  	[tilespmem:s18+$0x180] =	vst v0  }
0x12: {  	[tilespmem:s18+$0x190] =	vst v0  }
.Ltmp0:
0x13: {  	[tilespmem:s18+$0x1A0] =	vst v0;
	(pc) =	sbr.rel @p0 .LBB2_2-.Ltmp0, $4  }
0x14: {  	[tilespmem:s18+$0x1B0] =	vst v0  }
0x15: {  	[tilespmem:s18+$0x1C0] =	vst v0  }
0x16: {  	[tilespmem:s18+$0x1D0] =	vst v0  }
0x17: {  	[tilespmem:s18+$0x1E0] =	vst v0;
	s18 =	sshra.s32 s19, $0x2;
	s19 =	sadd.s32 $0x200, s19  }
0x18: {  	[tilespmem:s18+$0x1F0] =	vst v0  }
0x19: {  	[tilespmem:s18+$0x180] =	vst v0  }
0x1a: {  	[tilespmem:s18+$0x190] =	vst v0  }
0x1b: {  	[tilespmem:s18+$0x1A0] =	vst v0  }
0x1c: {  	[tilespmem:s18+$0x1B0] =	vst v0  }
0x1d: {  	[tilespmem:s18+$0x1C0] =	vst v0  }
0x1e: {  	[tilespmem:s18+$0x1D0] =	vst v0;
	s19 =	sadd.s32 $0x0, s5  }
0x1f: {  	[tilespmem:s18+$0x1E0] =	vst v0;
	v3 =	vor.u32 s19, v1;
	s30 =	sadd.s32 $0x40, s19  }
0x20: {  	s20 =	sadd.s32 $0x30, s19;
	[tilespmem:$0x100] =	vst v3;
	v3 =	vor.u32 s30, v1  }
0x21: {  	s31 =	sadd.s32 $0x20, s19;
	v4 =	vor.u32 s20, v1;
	[tilespmem:$0x140] =	vst v3  }
0x22: {  	s18 =	simm.s32 $0x50;
	s19 =	sadd.s32 $0x10, s19;
	v3 =	vor.u32 s31, v1;
	[tilespmem:$0x130] =	vst v4  }
.LBB2_4:
0x23: {  	p0 =	sne.s32 s18, $0x230;
	v4 =	vor.u32 s19, v1;
	[tilespmem:$0x120] =	vst v3  }
0x24: {  	[tilespmem:$0x110] =	vst v4;
	[spmem:s3] =	stream.indirect.scatter [tilespmem:s13], [sflag:$0x2], $0x80, s12, s11, $0xb8  }
0x25: {  	_ =	swait.ge [sflag:s14], $0x2800  }
.Ltmp1:
0x26: {  	s19 =	sadd.s32 s18, s5;
	[sflag:s14] =	ssyncset.done $0x0;
	(pc) =	sbr.rel @p0 .LBB2_4-.Ltmp1, $4  }
0x27: {  	v3 =	vor.u32 s19, v1;
	s20 =	sadd.s32 $0x40, s19;
	[sflag:s14] =	ssyncadd.s32 $0xFFFFD800  }
0x28: {  	s21 =	sadd.s32 $0x30, s19;
	[tilespmem:$0x100] =	vst v3;
	v3 =	vor.u32 s20, v1  }
0x29: {  	v4 =	vor.u32 s21, v1;
	s20 =	sadd.s32 $0x20, s19;
	[tilespmem:$0x140] =	vst v3  }
0x2a: {  	s18 =	sadd.s32 $0x50, s18;
	s19 =	sadd.s32 $0x10, s19;
	v3 =	vor.u32 s20, v1;
	[tilespmem:$0x130] =	vst v4  }
0x2b: {  	v4 =	vor.u32 s19, v1;
	[tilespmem:$0x120] =	vst v3  }
0x2c: {  	[tilespmem:$0x110] =	vst v4  }
0x2d: {  	[spmem:s3] =	stream.indirect.scatter [tilespmem:s13], [sflag:$0x2], $0x80, s12, s11, $0xb8;
	[tilespmem:$0x16980] =	vst v63  }
0x2e: {  	_ =	swait.ge [sflag:s14], $0x2800  }
0x2f: {  	[sflag:s14] =	ssyncset.done $0x0  }
0x30: {  	[sflag:s14] =	ssyncadd.s32 $0xFFFFD800  }
0x31: {  	s18 =	sadd.s32 $0x0, s8;
	[bflag:$0x0] =	sbarrier.arrive $0xFFFF  }
0x32: {  	[tilespmem:s15], [sflag:$0x2] =	stream.linear.gather [hbm4b:s18+s4], $0x50, $0x38;
	[tilespmem:$0x16980] =	vst v63  }
0x33: {  	_ =	swait.ge [sflag:s14], $0x50  }
0x34: {  	[sflag:s14] =	ssyncset.done $0x0  }
0x35: {  	s31 =	sadd.s32 $0x0, s7;
	[sflag:s14] =	ssyncadd.s32 $0xFFFFFFB0  }
0x36: {  	[tilespmem:s4], [sflag:$0x2] =	stream.linear.gather [hbm4b:s31+s4], $0x50, $0x38;
	[tilespmem:$0x16980] =	vst v63  }
0x37: {  	_ =	swait.ge [sflag:s14], $0x50  }
0x38: {  	[sflag:s14] =	ssyncset.done $0x0  }
0x39: {  	[sflag:s14] =	ssyncadd.s32 $0xFFFFFFB0  }
0x3a: {  	[tilespmem:s13], [sflag:$0x1] =	stream.indirect.gather [hbm4b:s1+s11], $0x80, s15, s11, $0xb8;
	[tilespmem:$0x16980] =	vst v63  }
0x3b: {  	_ =	swait.ge [sflag:s16], $0x2800  }
0x3c: {  	[sflag:s16] =	ssyncset.done $0x0  }
0x3d: {  	[sflag:s16] =	ssyncadd.s32 $0xFFFFD800  }
0x3e: {  	[spmem:s3] =	stream.indirect.scatter.add.f32 [tilespmem:s13], [sflag:$0x2], $0x80, s4, s11, $0xb8;
	[tilespmem:$0x16980] =	vst v63  }
0x3f: {  	_ =	swait.ge [sflag:s14], $0x2800  }
0x40: {  	s19 =	simm.s32 $0x14;
	s18 =	simm.s32 $0xA;
	[sflag:s14] =	ssyncset.done $0x0  }
.LBB2_6:
0x41: {  	s20 =	sadd.s32 s18, s8  }
0x42: {  	[sflag:s14] =	ssyncadd.s32 $0xFFFFD800;
	s21 =	smov.u32 s19;
	s22 =	sadd.s32 $0xA, s19  }
0x43: {  	[tilespmem:s15], [sflag:$0x2] =	stream.linear.gather [hbm4b:s20+s4], $0x50, $0x38;
	[tilespmem:$0x16980] =	vst v63  }
0x44: {  	p0 =	sne.s32 s19, $0x4D8;
	_ =	swait.ge [sflag:s14], $0x50  }
0x45: {  	[sflag:s14] =	ssyncset.done $0x0  }
0x46: {  	s19 =	sadd.s32 s18, s7;
	s18 =	smov.u32 s21;
	[sflag:s14] =	ssyncadd.s32 $0xFFFFFFB0  }
0x47: {  	[tilespmem:s4], [sflag:$0x2] =	stream.linear.gather [hbm4b:s19+s4], $0x50, $0x38;
	[tilespmem:$0x16980] =	vst v63  }
0x48: {  	_ =	swait.ge [sflag:s14], $0x50  }
0x49: {  	[sflag:s14] =	ssyncset.done $0x0  }
0x4a: {  	[sflag:s14] =	ssyncadd.s32 $0xFFFFFFB0  }
0x4b: {  	[tilespmem:s13], [sflag:$0x1] =	stream.indirect.gather [hbm4b:s1+s11], $0x80, s15, s11, $0xb8;
	[tilespmem:$0x16980] =	vst v63  }
0x4c: {  	_ =	swait.ge [sflag:s16], $0x2800  }
.Ltmp2:
0x4d: {  	[sflag:s16] =	ssyncset.done $0x0;
	(pc) =	sbr.rel @p0 .LBB2_6-.Ltmp2, $4  }
0x4e: {  	[sflag:s16] =	ssyncadd.s32 $0xFFFFD800  }
0x4f: {  	[spmem:s3] =	stream.indirect.scatter.add.f32 [tilespmem:s13], [sflag:$0x2], $0x80, s4, s11, $0xb8;
	[tilespmem:$0x16980] =	vst v63  }
0x50: {  	_ =	swait.ge [sflag:s14], $0x2800  }
0x51: {  	s19 =	smov.u32 s22;
	[sflag:s14] =	ssyncset.done $0x0  }
0x52: {  	s19 =	sadd.s32 s18, s8;
	[sflag:s14] =	ssyncadd.s32 $0xFFFFD800  }
0x53: {  	[tilespmem:s15], [sflag:$0x2] =	stream.linear.gather [hbm4b:s19+s4], $0x50, $0x38;
	[tilespmem:$0x16980] =	vst v63  }
0x54: {  	_ =	swait.ge [sflag:s14], $0x50  }
0x55: {  	[sflag:s14] =	ssyncset.done $0x0  }
0x56: {  	s28 =	sadd.s32 s18, s7;
	[sflag:s14] =	ssyncadd.s32 $0xFFFFFFB0  }
0x57: {  	[tilespmem:s4], [sflag:$0x2] =	stream.linear.gather [hbm4b:s28+s4], $0x50, $0x38;
	[tilespmem:$0x16980] =	vst v63  }
0x58: {  	_ =	swait.ge [sflag:s14], $0x50  }
0x59: {  	[sflag:s14] =	ssyncset.done $0x0  }
0x5a: {  	[sflag:s14] =	ssyncadd.s32 $0xFFFFFFB0  }
0x5b: {  	[tilespmem:s13], [sflag:$0x1] =	stream.indirect.gather [hbm4b:s1+s11], $0x80, s15, s11, $0xb8;
	[tilespmem:$0x16980] =	vst v63  }
0x5c: {  	_ =	swait.ge [sflag:s16], $0x2800  }
0x5d: {  	[sflag:s16] =	ssyncset.done $0x0  }
0x5e: {  	[sflag:s16] =	ssyncadd.s32 $0xFFFFD800  }
0x5f: {  	[spmem:s3] =	stream.indirect.scatter.add.f32 [tilespmem:s13], [sflag:$0x2], $0x80, s4, s11, $0xb8;
	[tilespmem:$0x16980] =	vst v63  }
0x60: {  	_ =	swait.ge [sflag:s14], $0x2800  }
0x61: {  	[sflag:s14] =	ssyncset.done $0x0  }
0x62: {  	s29 =	sadd.s32 $0x0, s5;
	[sflag:s14] =	ssyncadd.s32 $0xFFFFD800  }
0x63: {  	v3 =	vor.u32 s29, v1;
	s20 =	sadd.s32 $0x40, s29;
	[bflag:$0x0] =	sbarrier.arrive $0xFFFF  }
0x64: {  	s30 =	sadd.s32 $0x10, s29;
	v4 =	vor.u32 s20, v1;
	[tilespmem:$0x100] =	vst v3  }
0x65: {  	s31 =	sadd.s32 $0x30, s29;
	v3 =	vor.u32 s30, v1;
	[tilespmem:$0x140] =	vst v4  }
0x66: {  	s18 =	sadd.s32 $0x20, s29;
	[tilespmem:$0x110] =	vst v3;
	v3 =	vor.u32 s31, v1  }
0x67: {  	[tilespmem:$0x130] =	vst v3;
	v3 =	vor.u32 s18, v1  }
0x68: {  	[tilespmem:$0x120] =	vst v3  }
0x69: {  	[tilespmem:s13], [sflag:$0x1] =	stream.indirect.gather [spmem:s3], $0x80, s12, s11, $0xb8;
	[tilespmem:$0x16980] =	vst v63  }
0x6a: {  	_ =	swait.ge [sflag:s16], $0x2800  }
0x6b: {  	s21 =	smov.u32 s9;
	s19 =	simm.s32 $0x50;
	[sflag:s16] =	ssyncset.done $0x0  }
0x6c: {  	s20 =	sadd.s32 $0x500, s9;
	s18 =	simm.s32 $0x0;
	[sflag:s16] =	ssyncadd.s32 $0xFFFFD800  }
.LBB2_8:
0x6d: {  	[hbm4b:s21+s18] =	stream.linear.scatter [tilespmem:s13], [sflag:$0x2], $0x2800, $0x38;
	[tilespmem:$0x16980] =	vst v63  }
0x6e: {  	s22 =	smov.u32 s19;
	s21 =	smov.u32 s20  }
0x6f: {  	p0 =	sne.s32 s19, $0x230;
	s19 =	sadd.s32 $0x50, s19;
	_ =	swait.ge [sflag:s14], $0x2800  }
0x70: {  	s22 =	sadd.s32 s22, s5;
	[sflag:s14] =	ssyncset.done $0x0  }
0x71: {  	v3 =	vor.u32 s22, v1;
	s23 =	sadd.s32 $0x10, s22;
	s24 =	sadd.s32 $0x20, s22;
	[sflag:s14] =	ssyncadd.s32 $0xFFFFD800  }
0x72: {  	v4 =	vor.u32 s24, v1;
	[tilespmem:$0x100] =	vst v3;
	v3 =	vor.u32 s23, v1;
	s23 =	sadd.s32 $0x30, s22;
	s22 =	sadd.s32 $0x40, s22  }
0x73: {  	[tilespmem:$0x110] =	vst v3;
	v3 =	vor.u32 s23, v1;
	v5 =	vor.u32 s22, v1  }
0x74: {  	[tilespmem:$0x130] =	vst v3  }
0x75: {  	[tilespmem:$0x140] =	vst v5  }
.Ltmp3:
0x76: {  	[tilespmem:$0x120] =	vst v4;
	(pc) =	sbr.rel @p0 .LBB2_8-.Ltmp3, $4  }
0x77: {  	[tilespmem:s13], [sflag:$0x1] =	stream.indirect.gather [spmem:s3], $0x80, s12, s11, $0xb8;
	[tilespmem:$0x16980] =	vst v63  }
0x78: {  	_ =	swait.ge [sflag:s16], $0x2800  }
0x79: {  	[sflag:s16] =	ssyncset.done $0x0  }
0x7a: {  	s20 =	sadd.s32 $0x500, s20;
	[sflag:s16] =	ssyncadd.s32 $0xFFFFD800  }
0x7b: {  	[hbm4b:s21+s18] =	stream.linear.scatter [tilespmem:s13], [sflag:$0x2], $0x2800, $0x38;
	[tilespmem:$0x16980] =	vst v63  }
0x7c: {  	_ =	swait.ge [sflag:s14], $0x2800  }
0x7d: {  	[sflag:s14] =	ssyncset.done $0x0  }
0x7e: {  	s18 =	simm.s32 $0x0;
	s19 =	simm.s32 $0x200;
	[sflag:s14] =	ssyncadd.s32 $0xFFFFD800  }
.LBB2_10:
0x7f: {  	p0 =	sne.s32 s19, $0x9E00;
	[tilespmem:s18+$0x1F0] =	vst v0  }
0x80: {  	[tilespmem:s18+$0x180] =	vst v0  }
0x81: {  	[tilespmem:s18+$0x190] =	vst v0  }
.Ltmp4:
0x82: {  	[tilespmem:s18+$0x1A0] =	vst v0;
	(pc) =	sbr.rel @p0 .LBB2_10-.Ltmp4, $4  }
0x83: {  	[tilespmem:s18+$0x1B0] =	vst v0  }
0x84: {  	[tilespmem:s18+$0x1C0] =	vst v0  }
0x85: {  	[tilespmem:s18+$0x1D0] =	vst v0  }
0x86: {  	[tilespmem:s18+$0x1E0] =	vst v0;
	s18 =	sshra.s32 s19, $0x2;
	s19 =	sadd.s32 $0x200, s19  }
0x87: {  	[tilespmem:s18+$0x1F0] =	vst v0  }
0x88: {  	[tilespmem:s18+$0x180] =	vst v0  }
0x89: {  	[tilespmem:s18+$0x190] =	vst v0  }
0x8a: {  	[tilespmem:s18+$0x1A0] =	vst v0  }
0x8b: {  	[tilespmem:s18+$0x1B0] =	vst v0  }
0x8c: {  	[tilespmem:s18+$0x1C0] =	vst v0  }
0x8d: {  	[tilespmem:s18+$0x1D0] =	vst v0;
	s19 =	sadd.s32 $0x0, s5  }
0x8e: {  	[tilespmem:s18+$0x1E0] =	vst v0;
	v3 =	vor.u32 s19, v1;
	s30 =	sadd.s32 $0x40, s19  }
0x8f: {  	s20 =	sadd.s32 $0x30, s19;
	[tilespmem:$0x100] =	vst v3;
	v3 =	vor.u32 s30, v1  }
0x90: {  	s31 =	sadd.s32 $0x20, s19;
	v4 =	vor.u32 s20, v1;
	[tilespmem:$0x140] =	vst v3  }
0x91: {  	s18 =	simm.s32 $0x50;
	s19 =	sadd.s32 $0x10, s19;
	v3 =	vor.u32 s31, v1;
	[tilespmem:$0x130] =	vst v4  }
.LBB2_12:
0x92: {  	p0 =	sne.s32 s18, $0x230;
	v4 =	vor.u32 s19, v1;
	[tilespmem:$0x120] =	vst v3  }
0x93: {  	[tilespmem:$0x110] =	vst v4;
	[spmem:s3] =	stream.indirect.scatter [tilespmem:s13], [sflag:$0x2], $0x80, s12, s11, $0xb8  }
0x94: {  	_ =	swait.ge [sflag:s14], $0x2800  }
.Ltmp5:
0x95: {  	s19 =	sadd.s32 s18, s5;
	[sflag:s14] =	ssyncset.done $0x0;
	(pc) =	sbr.rel @p0 .LBB2_12-.Ltmp5, $4  }
0x96: {  	v3 =	vor.u32 s19, v1;
	s20 =	sadd.s32 $0x40, s19;
	[sflag:s14] =	ssyncadd.s32 $0xFFFFD800  }
0x97: {  	s21 =	sadd.s32 $0x30, s19;
	[tilespmem:$0x100] =	vst v3;
	v3 =	vor.u32 s20, v1  }
0x98: {  	v4 =	vor.u32 s21, v1;
	s20 =	sadd.s32 $0x20, s19;
	[tilespmem:$0x140] =	vst v3  }
0x99: {  	s18 =	sadd.s32 $0x50, s18;
	s19 =	sadd.s32 $0x10, s19;
	v3 =	vor.u32 s20, v1;
	[tilespmem:$0x130] =	vst v4  }
0x9a: {  	v4 =	vor.u32 s19, v1;
	[tilespmem:$0x120] =	vst v3  }
0x9b: {  	[tilespmem:$0x110] =	vst v4  }
0x9c: {  	[spmem:s3] =	stream.indirect.scatter [tilespmem:s13], [sflag:$0x2], $0x80, s12, s11, $0xb8;
	[tilespmem:$0x16980] =	vst v63  }
0x9d: {  	_ =	swait.ge [sflag:s14], $0x2800  }
0x9e: {  	[sflag:s14] =	ssyncset.done $0x0  }
0x9f: {  	s18 =	simm.s32 $0x0;
	s19 =	simm.s32 $0x200;
	[sflag:s14] =	ssyncadd.s32 $0xFFFFD800  }
.LBB2_14:
0xa0: {  	p0 =	sne.s32 s19, $0x9E00;
	[tilespmem:s18+$0x1F0] =	vst v2  }
0xa1: {  	[tilespmem:s18+$0x180] =	vst v2  }
0xa2: {  	[tilespmem:s18+$0x190] =	vst v2  }
.Ltmp6:
0xa3: {  	[tilespmem:s18+$0x1A0] =	vst v2;
	(pc) =	sbr.rel @p0 .LBB2_14-.Ltmp6, $4  }
0xa4: {  	[tilespmem:s18+$0x1B0] =	vst v2  }
0xa5: {  	[tilespmem:s18+$0x1C0] =	vst v2  }
0xa6: {  	[tilespmem:s18+$0x1D0] =	vst v2  }
0xa7: {  	[tilespmem:s18+$0x1E0] =	vst v2;
	s18 =	sshra.s32 s19, $0x2;
	s19 =	sadd.s32 $0x200, s19  }
0xa8: {  	[tilespmem:s18+$0x1F0] =	vst v2  }
0xa9: {  	[tilespmem:s18+$0x180] =	vst v2  }
0xaa: {  	[tilespmem:s18+$0x190] =	vst v2  }
0xab: {  	[tilespmem:s18+$0x1A0] =	vst v2  }
0xac: {  	[tilespmem:s18+$0x1B0] =	vst v2  }
0xad: {  	[tilespmem:s18+$0x1C0] =	vst v2  }
0xae: {  	[tilespmem:s18+$0x1D0] =	vst v2  }
0xaf: {  	[tilespmem:s18+$0x1E0] =	vst v2  }
0xb0: {  	s31 =	sadd.s32 $0x0, s7;
	[bflag:$0x0] =	sbarrier.arrive $0xFFFF  }
0xb1: {  	[tilespmem:s4], [sflag:$0x2] =	stream.linear.gather [hbm4b:s31+s4], $0x50, $0x38;
	[tilespmem:$0x16980] =	vst v63  }
0xb2: {  	_ =	swait.ge [sflag:s14], $0x50  }
0xb3: {  	[sflag:s14] =	ssyncset.done $0x0  }
0xb4: {  	[sflag:s14] =	ssyncadd.s32 $0xFFFFFFB0  }
0xb5: {  	[spmem:s3] =	stream.indirect.scatter.add.f32 [tilespmem:s13], [sflag:$0x2], $0x80, s4, s11, $0xb8;
	[tilespmem:$0x16980] =	vst v63  }
0xb6: {  	_ =	swait.ge [sflag:s14], $0x2800  }
0xb7: {  	s18 =	simm.s32 $0xA;
	s19 =	simm.s32 $0x14;
	[sflag:s14] =	ssyncset.done $0x0  }
.LBB2_16:
0xb8: {  	s20 =	sadd.s32 s18, s7  }
0xb9: {  	[sflag:s14] =	ssyncadd.s32 $0xFFFFD800;
	s18 =	smov.u32 s19;
	s21 =	sadd.s32 $0xA, s19  }
0xba: {  	[tilespmem:s4], [sflag:$0x2] =	stream.linear.gather [hbm4b:s20+s4], $0x50, $0x38;
	[tilespmem:$0x16980] =	vst v63  }
0xbb: {  	p0 =	sne.s32 s19, $0x4D8;
	_ =	swait.ge [sflag:s14], $0x50  }
.Ltmp7:
0xbc: {  	[sflag:s14] =	ssyncset.done $0x0;
	(pc) =	sbr.rel @p0 .LBB2_16-.Ltmp7, $4  }
0xbd: {  	[sflag:s14] =	ssyncadd.s32 $0xFFFFFFB0  }
0xbe: {  	[spmem:s3] =	stream.indirect.scatter.add.f32 [tilespmem:s13], [sflag:$0x2], $0x80, s4, s11, $0xb8;
	[tilespmem:$0x16980] =	vst v63  }
0xbf: {  	_ =	swait.ge [sflag:s14], $0x2800  }
0xc0: {  	s19 =	smov.u32 s21;
	[sflag:s14] =	ssyncset.done $0x0  }
0xc1: {  	s18 =	sadd.s32 s18, s7;
	[sflag:s14] =	ssyncadd.s32 $0xFFFFD800  }
0xc2: {  	[tilespmem:s4], [sflag:$0x2] =	stream.linear.gather [hbm4b:s18+s4], $0x50, $0x38;
	[tilespmem:$0x16980] =	vst v63  }
0xc3: {  	_ =	swait.ge [sflag:s14], $0x50  }
0xc4: {  	[sflag:s14] =	ssyncset.done $0x0  }
0xc5: {  	[sflag:s14] =	ssyncadd.s32 $0xFFFFFFB0  }
0xc6: {  	[spmem:s3] =	stream.indirect.scatter.add.f32 [tilespmem:s13], [sflag:$0x2], $0x80, s4, s11, $0xb8;
	[tilespmem:$0x16980] =	vst v63  }
0xc7: {  	_ =	swait.ge [sflag:s14], $0x2800  }
0xc8: {  	[sflag:s14] =	ssyncset.done $0x0  }
0xc9: {  	s30 =	sadd.s32 $0x0, s5;
	[sflag:s14] =	ssyncadd.s32 $0xFFFFD800  }
0xca: {  	v3 =	vor.u32 s30, v1;
	s20 =	sadd.s32 $0x40, s30;
	[bflag:$0x0] =	sbarrier.arrive $0xFFFF  }
0xcb: {  	s19 =	sadd.s32 $0x10, s30;
	v4 =	vor.u32 s20, v1;
	[tilespmem:$0x100] =	vst v3  }
0xcc: {  	s31 =	sadd.s32 $0x30, s30;
	v3 =	vor.u32 s19, v1;
	[tilespmem:$0x140] =	vst v4  }
0xcd: {  	s18 =	sadd.s32 $0x20, s30;
	[tilespmem:$0x110] =	vst v3;
	v3 =	vor.u32 s31, v1  }
0xce: {  	[tilespmem:$0x130] =	vst v3;
	v3 =	vor.u32 s18, v1  }
0xcf: {  	[tilespmem:$0x120] =	vst v3  }
0xd0: {  	[tilespmem:s13], [sflag:$0x1] =	stream.indirect.gather [spmem:s3], $0x80, s12, s11, $0xb8;
	[tilespmem:$0x16980] =	vst v63  }
0xd1: {  	_ =	swait.ge [sflag:s16], $0x2800  }
0xd2: {  	s20 =	smov.u32 s10;
	[sflag:s16] =	ssyncset.done $0x0  }
0xd3: {  	s19 =	sadd.s32 $0x500, s10;
	s18 =	simm.s32 $0x50;
	[sflag:s16] =	ssyncadd.s32 $0xFFFFD800  }
.LBB2_18:
0xd4: {  	[hbm4b:s20+s4] =	stream.linear.scatter [tilespmem:s13], [sflag:$0x2], $0x2800, $0x38;
	[tilespmem:$0x16980] =	vst v63  }
0xd5: {  	s21 =	smov.u32 s18;
	s20 =	smov.u32 s19  }
0xd6: {  	p0 =	sne.s32 s18, $0x230;
	s18 =	sadd.s32 $0x50, s18;
	_ =	swait.ge [sflag:s14], $0x2800  }
0xd7: {  	s21 =	sadd.s32 s21, s5;
	[sflag:s14] =	ssyncset.done $0x0  }
0xd8: {  	v3 =	vor.u32 s21, v1;
	s22 =	sadd.s32 $0x10, s21;
	s23 =	sadd.s32 $0x20, s21;
	[sflag:s14] =	ssyncadd.s32 $0xFFFFD800  }
0xd9: {  	v4 =	vor.u32 s23, v1;
	[tilespmem:$0x100] =	vst v3;
	v3 =	vor.u32 s22, v1;
	s22 =	sadd.s32 $0x30, s21;
	s21 =	sadd.s32 $0x40, s21  }
0xda: {  	[tilespmem:$0x110] =	vst v3;
	v3 =	vor.u32 s22, v1;
	v5 =	vor.u32 s21, v1  }
0xdb: {  	[tilespmem:$0x130] =	vst v3  }
0xdc: {  	[tilespmem:$0x140] =	vst v5  }
.Ltmp8:
0xdd: {  	[tilespmem:$0x120] =	vst v4;
	(pc) =	sbr.rel @p0 .LBB2_18-.Ltmp8, $4  }
0xde: {  	[tilespmem:s13], [sflag:$0x1] =	stream.indirect.gather [spmem:s3], $0x80, s12, s11, $0xb8;
	[tilespmem:$0x16980] =	vst v63  }
0xdf: {  	_ =	swait.ge [sflag:s16], $0x2800  }
0xe0: {  	[sflag:s16] =	ssyncset.done $0x0  }
0xe1: {  	s19 =	sadd.s32 $0x500, s19;
	[sflag:s16] =	ssyncadd.s32 $0xFFFFD800  }
0xe2: {  	s17 =	sadd.s32 $0x1, s17  }
0xe3: {  	p0 =	sne.s32 s17, s6  }
.Ltmp9:
0xe4: {  	_ = 	snop;
	(pc) =	sbr.rel @p0 .LBB2_1-.Ltmp9, $4  }
0xe5: {  	[hbm4b:s20+s4] =	stream.linear.scatter [tilespmem:s13], [sflag:$0x2], $0x2800, $0x38;
	[tilespmem:$0x16980] =	vst v63  }
0xe6: {  	_ =	swait.ge [sflag:s14], $0x2800  }
0xe7: {  	[sflag:s14] =	ssyncset.done $0x0  }
0xe8: {  	[sflag:s14] =	ssyncadd.s32 $0xFFFFD800  }
0xe9: {  	_ =	sfence.sel $0x180000  }
0xea: {  	[bflag:$0x0] =	sbarrier.arrive $0xFFFF  }
0xeb: {  	p0 =	sne.s32 s0, $0x0;
	_ =	strace $0x90000047  }
0xec: {  	s0 =	sadd.s32 @!p0 $0x100000, s2;
	[bflag:$0x2] =	sbarrier.arrive $0xFFFF  }
0xed: {  	[sflag:s0] =	ssyncadd.tile.s32 @!p0 $0x1;
	_ =	shalt  }
.Lfunc_end2:
_tile_overlayer_lowered:
.L_overlay_start_2:
0xee: {  	(tag) =	ssettag $0x2  }
0xef: {  	s0 =	rddreg [dreg:$0x0];
	s2 =	stileid.u32  }
0xf0: {  	s1 =	rddreg [dreg:$0x1];
	p0 =	sne.s32 s2, $0x0  }
0xf1: {  	s3 =	rddreg [dreg:$0x2];
	[bflag:$0x3] =	sbarrier.arrive $0xFFFF;
	s2 =	simm.s32 @!p0 $0x1C02  }
0xf2: {  	[timem:s3], [sflag:s2] =	dma.local @!p0 [hbm:s0], s1  }
0xf3: {  	s0 =	simm.s32 @!p0 $0x2  }
0xf4: {  	_ =	swait.ge @!p0 [sflag:s0], s1  }
0xf5: {  	s1 =	ssub.s32 @!p0 $0x0, s1;
	[sflag:s0] =	ssyncset.done @!p0 $0x0  }
0xf6: {  	[sflag:s0] =	ssyncadd.s32 @!p0 s1  }
0xf7: {  	[bflag:$0x3] =	sbarrier.arrive $0xFFFF  }
0xf8: {  	_ =	shalt  }

</sc_bundles>
